<compile_context>
chip_gen: v7x
topology: tpu7x:2x2x1
jax: 0.10.2.dev20260603
libtpu: 0.0.44.dev20260713+nightly
codegen_flags: <defaults>
</compile_context>

<pallas_src>
import functools

import jax
import jax.numpy as jnp
from jax import lax
from jax.experimental import pallas as pl
from jax.experimental.pallas import tpu as pltpu
from jax.experimental.pallas import tpu_sc as plsc

_VOCAB = 1_000_000
_DIM = 64
_PAD = 128
_B = 4096
_L = 200

_NC = 2
_NS = 16
_NW = _NC * _NS
_RPW = _B // _NW
_NB = 4
_DW = 1
_DG = _NB - _DW


def _emb_body(idx_hbm, table_hbm, out_hbm, idx_v, rows_v, gsem, wsem):
    wid = lax.axis_index("s") * _NC + lax.axis_index("c")
    base = wid * _RPW

    pltpu.sync_copy(idx_hbm.at[pl.ds(base, _RPW)], idx_v)

    def start_gather(g, slot):
        pltpu.async_copy(table_hbm.at[idx_v.at[g]], rows_v.at[slot], gsem)

    def wait_gather(g, slot):
        pltpu.make_async_copy(
            table_hbm.at[idx_v.at[g]], rows_v.at[slot], gsem).wait()

    def start_wb(g, slot):
        pltpu.async_copy(
            rows_v.at[slot], out_hbm.at[base + g, :, pl.ds(0, _DIM)], wsem)

    def wait_wb(g, slot):
        pltpu.make_async_copy(
            rows_v.at[slot], out_hbm.at[base + g, :, pl.ds(0, _DIM)],
            wsem).wait()

    for g in range(_DG):
        start_gather(g, g)

    def step(g, b):
        wait_gather(g, b)
        start_wb(g, b)
        wait_wb(g - _DW, (b - _DW) % _NB)
        start_gather(g + _DG, (b + _DG) % _NB)

    for g in range(_NB):
        wait_gather(g, g)
        start_wb(g, g)
        if g >= _DW:
            wait_wb(g - _DW, (g - _DW) % _NB)
        start_gather(g + _DG, (g + _DG) % _NB)

    @pl.loop(_NB, _RPW - _NB, step=_NB)
    def _steady(go):
        for b in range(_NB):
            step(go + b, b)

    for g in range(_RPW - _NB, _RPW):
        wait_gather(g, g % _NB)
        start_wb(g, g % _NB)
        wait_wb(g - _DW, (g - _DW) % _NB)
        if g + _DG < _RPW:
            start_gather(g + _DG, (g + _DG) % _NB)

    for g in range(_RPW - _DW, _RPW):
        wait_wb(g, g % _NB)


@jax.jit
def _embedding_lookup(idx, table):
    mesh = plsc.VectorSubcoreMesh(core_axis_name="c", subcore_axis_name="s")
    fn = functools.partial(
        pl.kernel,
        out_type=jax.ShapeDtypeStruct((_B, _L, _PAD), jnp.float32),
        mesh=mesh,
        scratch_types=[
            pltpu.VMEM((_RPW, _L), jnp.int32),
            pltpu.VMEM((_NB, _L, _DIM), jnp.float32),
            pltpu.SemaphoreType.DMA,
            pltpu.SemaphoreType.DMA,
        ],
        compiler_params=pltpu.CompilerParams(use_tc_tiling_on_sc=False),
    )(_emb_body)
    return fn(idx, table)


def kernel(inputs, table):
    out128 = _embedding_lookup(inputs.astype(jnp.int32), table)
    return lax.slice(out128, (0, 0, 0), (_B, _L, _DIM))

# --- scband reference (transcript-rebuilt; emitter-appended) ---
"""Pipeline reference for scband-word-embedding-4750233829380 (READ-ONLY COPY).

The authoritative reference and input builder live on the scoring server;
editing this copy changes nothing except your own understanding.
"""

import jax, jax.numpy as jnp
import numpy as np

VOCAB = 1000000
DIM = 64
B = 4096
L = 200

def setup_inputs(seed: int = 0) -> dict:
    key = jax.random.key(seed)
    k_idx, k_tab = jax.random.split(key)
    inputs = jax.random.randint(k_idx, (B, L), 0, VOCAB, dtype=jnp.int64 if jax.config.jax_enable_x64 else jnp.int32)
    table = jax.random.normal(k_tab, (VOCAB, DIM), dtype=jnp.float32)
    return {"inputs": inputs, "table": table}

def reference(inputs, table):
    # nn.Embedding forward: row gather from the embedding table
    embedded_inputs = jnp.take(table, inputs, axis=0)
    return embedded_inputs

if __name__ == "__main__":
    import jax
    _d = setup_inputs()
    print(jax.jit(kernel)(*tuple(_d.values())))

</pallas_src>

<mosaic_0001>
#map = affine_map<(d0, d1) -> (0, 0)>
#map1 = affine_map<(d0, d1) -> (0, 0, 0)>
module attributes {stable_mosaic.version = 14 : i64} {
  func.func @_emb_body(%arg0: i32, %arg1: i32, %arg2: memref<4096x200xi32, #tpu.memory_space<hbm>>, %arg3: memref<1000000x64xf32, #tpu.memory_space<hbm>>, %arg4: memref<4096x200x128xf32, #tpu.memory_space<hbm>>, %arg5: memref<128x200xi32, #tpu.memory_space<vmem>>, %arg6: memref<4x200x64xf32, #tpu.memory_space<vmem>>, %arg7: memref<!tpu.dma_semaphore, #tpu.memory_space<semaphore_mem>>, %arg8: memref<!tpu.dma_semaphore, #tpu.memory_space<semaphore_mem>>) attributes {dimension_semantics = [#tpu.dimension_semantics<core_parallel>, #tpu.dimension_semantics<subcore_parallel>], iteration_bounds = array<i64: 2, 16>, scalar_prefetch = 0 : i64, scratch_operands = 4 : i64, tpu.core_type = #tpu.core_type<sc_vector_subcore>, window_params = [{transform_indices = #map}, {transform_indices = #map}, {transform_indices = #map1}]} {
    %mul3A = arith.constant 2 : i32
    %mul3A_0 = arith.muli %arg1, %mul3A : i32
    %add3A = arith.addi %mul3A_0, %arg0 : i32
    %mul3A_1 = arith.constant 128 : i32
    %mul3A_2 = arith.muli %add3A, %mul3A_1 : i32
    "tpu.region"() ({
      %run_scoped3A = tpu.sem_alloc : memref<!tpu.dma_semaphore, #tpu.memory_space<semaphore_mem>>
      %dma_start3A_501 = arith.constant 0 : i32
      %dma_start3A_502 = tpu.memref_slice %arg2[%mul3A_2, %dma_start3A_501] : memref<4096x200xi32, #tpu.memory_space<hbm>> -> memref<128x200xi32, #tpu.memory_space<hbm>>
      %dma_start3A_503 = arith.constant 0 : i32
      %dma_start3A_504 = tpu.memref_slice %arg2[%mul3A_2, %dma_start3A_503] : memref<4096x200xi32, #tpu.memory_space<hbm>> -> memref<128x200xi32, #tpu.memory_space<hbm>>
      tpu.enqueue_dma source(%dma_start3A_504 : memref<128x200xi32, #tpu.memory_space<hbm>>) target(%arg5 : memref<128x200xi32, #tpu.memory_space<vmem>>) target_semaphore(%run_scoped3A : memref<!tpu.dma_semaphore, #tpu.memory_space<semaphore_mem>>)
      %dma_wait3A_505 = arith.constant 0 : i32
      %dma_wait3A_506 = tpu.memref_slice %arg2[%mul3A_2, %dma_wait3A_505] : memref<4096x200xi32, #tpu.memory_space<hbm>> -> memref<128x200xi32, #tpu.memory_space<hbm>>
      %dma_wait3A_507 = arith.constant 0 : i32
      %dma_wait3A_508 = tpu.memref_slice %arg2[%mul3A_2, %dma_wait3A_507] : memref<4096x200xi32, #tpu.memory_space<hbm>> -> memref<128x200xi32, #tpu.memory_space<hbm>>
      tpu.wait_dma2 semaphore(%run_scoped3A : memref<!tpu.dma_semaphore, #tpu.memory_space<semaphore_mem>>) src(%dma_wait3A_508 : memref<128x200xi32, #tpu.memory_space<hbm>>) dst(%arg5 : memref<128x200xi32, #tpu.memory_space<vmem>>)
      tpu.yield
    }) : () -> ()
    %dma_start3A = arith.constant 0 : i32
    %dma_start3A_3 = arith.constant 0 : i32
    %dma_start3A_4 = arith.constant 0 : i32
    %dma_start3A_5 = arith.constant 0 : i32
    %dma_start3A_6 = tpu.memref_slice %arg6[%dma_start3A_3, %dma_start3A_4, %dma_start3A_5] : memref<4x200x64xf32, #tpu.memory_space<vmem>> -> memref<1x200x64xf32, #tpu.memory_space<vmem>>
    %dma_start3A_7 = tpu.memref_squeeze %dma_start3A_6 : memref<1x200x64xf32, #tpu.memory_space<vmem>> -> memref<200x64xf32, #tpu.memory_space<vmem>>
    %dma_start3A_8 = arith.constant 0 : i32
    %dma_start3A_9 = tpu.memref_slice %arg5[%dma_start3A, %dma_start3A_8] : memref<128x200xi32, #tpu.memory_space<vmem>> -> memref<1x200xi32, #tpu.memory_space<vmem>>
    %dma_start3A_10 = tpu.memref_squeeze %dma_start3A_9 : memref<1x200xi32, #tpu.memory_space<vmem>> -> memref<200xi32, #tpu.memory_space<vmem>>
    %dma_start3A_11 = arith.constant 0 : i32
    %dma_start3A_12 = arith.constant 0 : i32
    %dma_start3A_13 = tpu.memref_slice %arg3[%dma_start3A_11, %dma_start3A_12] : memref<1000000x64xf32, #tpu.memory_space<hbm>> -> memref<1000000x64xf32, #tpu.memory_space<hbm>>
    tpu.enqueue_indirect_dma source(%dma_start3A_13 : memref<1000000x64xf32, #tpu.memory_space<hbm>>) target(%dma_start3A_7 : memref<200x64xf32, #tpu.memory_space<vmem>>) offsets(%dma_start3A_10 : memref<200xi32, #tpu.memory_space<vmem>>) semaphore(%arg7 : memref<!tpu.dma_semaphore, #tpu.memory_space<semaphore_mem>>)
    %dma_start3A_14 = arith.constant 1 : i32
    %dma_start3A_15 = arith.constant 1 : i32
    %dma_start3A_16 = arith.constant 0 : i32
    %dma_start3A_17 = arith.constant 0 : i32
    %dma_start3A_18 = tpu.memref_slice %arg6[%dma_start3A_15, %dma_start3A_16, %dma_start3A_17] : memref<4x200x64xf32, #tpu.memory_space<vmem>> -> memref<1x200x64xf32, #tpu.memory_space<vmem>>
    %dma_start3A_19 = tpu.memref_squeeze %dma_start3A_18 : memref<1x200x64xf32, #tpu.memory_space<vmem>> -> memref<200x64xf32, #tpu.memory_space<vmem>>
    %dma_start3A_20 = arith.constant 0 : i32
    %dma_start3A_21 = tpu.memref_slice %arg5[%dma_start3A_14, %dma_start3A_20] : memref<128x200xi32, #tpu.memory_space<vmem>> -> memref<1x200xi32, #tpu.memory_space<vmem>>
    %dma_start3A_22 = tpu.memref_squeeze %dma_start3A_21 : memref<1x200xi32, #tpu.memory_space<vmem>> -> memref<200xi32, #tpu.memory_space<vmem>>
    %dma_start3A_23 = arith.constant 0 : i32
    %dma_start3A_24 = arith.constant 0 : i32
    %dma_start3A_25 = tpu.memref_slice %arg3[%dma_start3A_23, %dma_start3A_24] : memref<1000000x64xf32, #tpu.memory_space<hbm>> -> memref<1000000x64xf32, #tpu.memory_space<hbm>>
    tpu.enqueue_indirect_dma source(%dma_start3A_25 : memref<1000000x64xf32, #tpu.memory_space<hbm>>) target(%dma_start3A_19 : memref<200x64xf32, #tpu.memory_space<vmem>>) offsets(%dma_start3A_22 : memref<200xi32, #tpu.memory_space<vmem>>) semaphore(%arg7 : memref<!tpu.dma_semaphore, #tpu.memory_space<semaphore_mem>>)
    %dma_start3A_26 = arith.constant 2 : i32
    %dma_start3A_27 = arith.constant 2 : i32
    %dma_start3A_28 = arith.constant 0 : i32
    %dma_start3A_29 = arith.constant 0 : i32
    %dma_start3A_30 = tpu.memref_slice %arg6[%dma_start3A_27, %dma_start3A_28, %dma_start3A_29] : memref<4x200x64xf32, #tpu.memory_space<vmem>> -> memref<1x200x64xf32, #tpu.memory_space<vmem>>
    %dma_start3A_31 = tpu.memref_squeeze %dma_start3A_30 : memref<1x200x64xf32, #tpu.memory_space<vmem>> -> memref<200x64xf32, #tpu.memory_space<vmem>>
    %dma_start3A_32 = arith.constant 0 : i32
    %dma_start3A_33 = tpu.memref_slice %arg5[%dma_start3A_26, %dma_start3A_32] : memref<128x200xi32, #tpu.memory_space<vmem>> -> memref<1x200xi32, #tpu.memory_space<vmem>>
    %dma_start3A_34 = tpu.memref_squeeze %dma_start3A_33 : memref<1x200xi32, #tpu.memory_space<vmem>> -> memref<200xi32, #tpu.memory_space<vmem>>
    %dma_start3A_35 = arith.constant 0 : i32
    %dma_start3A_36 = arith.constant 0 : i32
    %dma_start3A_37 = tpu.memref_slice %arg3[%dma_start3A_35, %dma_start3A_36] : memref<1000000x64xf32, #tpu.memory_space<hbm>> -> memref<1000000x64xf32, #tpu.memory_space<hbm>>
    tpu.enqueue_indirect_dma source(%dma_start3A_37 : memref<1000000x64xf32, #tpu.memory_space<hbm>>) target(%dma_start3A_31 : memref<200x64xf32, #tpu.memory_space<vmem>>) offsets(%dma_start3A_34 : memref<200xi32, #tpu.memory_space<vmem>>) semaphore(%arg7 : memref<!tpu.dma_semaphore, #tpu.memory_space<semaphore_mem>>)
    %dma_wait3A = arith.constant 0 : i32
    %dma_wait3A_38 = arith.constant 0 : i32
    %dma_wait3A_39 = arith.constant 0 : i32
    %dma_wait3A_40 = arith.constant 0 : i32
    %dma_wait3A_41 = tpu.memref_slice %arg6[%dma_wait3A_38, %dma_wait3A_39, %dma_wait3A_40] : memref<4x200x64xf32, #tpu.memory_space<vmem>> -> memref<1x200x64xf32, #tpu.memory_space<vmem>>
    %dma_wait3A_42 = tpu.memref_squeeze %dma_wait3A_41 : memref<1x200x64xf32, #tpu.memory_space<vmem>> -> memref<200x64xf32, #tpu.memory_space<vmem>>
    %dma_wait3A_43 = arith.constant 0 : i32
    %dma_wait3A_44 = tpu.memref_slice %arg5[%dma_wait3A, %dma_wait3A_43] : memref<128x200xi32, #tpu.memory_space<vmem>> -> memref<1x200xi32, #tpu.memory_space<vmem>>
    %dma_wait3A_45 = tpu.memref_squeeze %dma_wait3A_44 : memref<1x200xi32, #tpu.memory_space<vmem>> -> memref<200xi32, #tpu.memory_space<vmem>>
    %dma_wait3A_46 = arith.constant 0 : i32
    %dma_wait3A_47 = arith.constant 0 : i32
    %dma_wait3A_48 = tpu.memref_slice %arg3[%dma_wait3A_46, %dma_wait3A_47] : memref<1000000x64xf32, #tpu.memory_space<hbm>> -> memref<1000000x64xf32, #tpu.memory_space<hbm>>
    tpu.wait_indirect_dma semaphore(%arg7 : memref<!tpu.dma_semaphore, #tpu.memory_space<semaphore_mem>>) src(%dma_wait3A_48 : memref<1000000x64xf32, #tpu.memory_space<hbm>>) dst(%dma_wait3A_42 : memref<200x64xf32, #tpu.memory_space<vmem>>)
    %add3A_49 = arith.constant 0 : i32
    %add3A_50 = arith.addi %mul3A_2, %add3A_49 : i32
    %dma_start3A_51 = arith.constant 0 : i32
    %dma_start3A_52 = arith.constant 0 : i32
    %dma_start3A_53 = arith.constant 0 : i32
    %dma_start3A_54 = tpu.memref_slice %arg6[%dma_start3A_51, %dma_start3A_52, %dma_start3A_53] : memref<4x200x64xf32, #tpu.memory_space<vmem>> -> memref<1x200x64xf32, #tpu.memory_space<vmem>>
    %dma_start3A_55 = tpu.memref_squeeze %dma_start3A_54 : memref<1x200x64xf32, #tpu.memory_space<vmem>> -> memref<200x64xf32, #tpu.memory_space<vmem>>
    %dma_start3A_56 = arith.constant 0 : i32
    %dma_start3A_57 = arith.constant 0 : i32
    %dma_start3A_58 = tpu.memref_slice %arg4[%add3A_50, %dma_start3A_56, %dma_start3A_57] : memref<4096x200x128xf32, #tpu.memory_space<hbm>> -> memref<1x200x64xf32, #tpu.memory_space<hbm>>
    %dma_start3A_59 = tpu.memref_squeeze %dma_start3A_58 : memref<1x200x64xf32, #tpu.memory_space<hbm>> -> memref<200x64xf32, #tpu.memory_space<hbm>>
    %dma_start3A_60 = arith.constant 0 : i32
    %dma_start3A_61 = arith.constant 0 : i32
    %dma_start3A_62 = tpu.memref_slice %arg4[%add3A_50, %dma_start3A_60, %dma_start3A_61] : memref<4096x200x128xf32, #tpu.memory_space<hbm>> -> memref<1x200x64xf32, #tpu.memory_space<hbm>>
    %dma_start3A_63 = tpu.memref_squeeze %dma_start3A_62 : memref<1x200x64xf32, #tpu.memory_space<hbm>> -> memref<200x64xf32, #tpu.memory_space<hbm>>
    %dma_start3A_64 = arith.constant 0 : i32
    %dma_start3A_65 = arith.constant 0 : i32
    %dma_start3A_66 = tpu.memref_slice %arg6[%dma_start3A_51, %dma_start3A_64, %dma_start3A_65] : memref<4x200x64xf32, #tpu.memory_space<vmem>> -> memref<1x200x64xf32, #tpu.memory_space<vmem>>
    %dma_start3A_67 = tpu.memref_squeeze %dma_start3A_66 : memref<1x200x64xf32, #tpu.memory_space<vmem>> -> memref<200x64xf32, #tpu.memory_space<vmem>>
    tpu.enqueue_dma source(%dma_start3A_67 : memref<200x64xf32, #tpu.memory_space<vmem>>) target(%dma_start3A_63 : memref<200x64xf32, #tpu.memory_space<hbm>>) target_semaphore(%arg8 : memref<!tpu.dma_semaphore, #tpu.memory_space<semaphore_mem>>)
    %dma_start3A_68 = arith.constant 3 : i32
    %dma_start3A_69 = arith.constant 3 : i32
    %dma_start3A_70 = arith.constant 0 : i32
    %dma_start3A_71 = arith.constant 0 : i32
    %dma_start3A_72 = tpu.memref_slice %arg6[%dma_start3A_69, %dma_start3A_70, %dma_start3A_71] : memref<4x200x64xf32, #tpu.memory_space<vmem>> -> memref<1x200x64xf32, #tpu.memory_space<vmem>>
    %dma_start3A_73 = tpu.memref_squeeze %dma_start3A_72 : memref<1x200x64xf32, #tpu.memory_space<vmem>> -> memref<200x64xf32, #tpu.memory_space<vmem>>
    %dma_start3A_74 = arith.constant 0 : i32
    %dma_start3A_75 = tpu.memref_slice %arg5[%dma_start3A_68, %dma_start3A_74] : memref<128x200xi32, #tpu.memory_space<vmem>> -> memref<1x200xi32, #tpu.memory_space<vmem>>
    %dma_start3A_76 = tpu.memref_squeeze %dma_start3A_75 : memref<1x200xi32, #tpu.memory_space<vmem>> -> memref<200xi32, #tpu.memory_space<vmem>>
    %dma_start3A_77 = arith.constant 0 : i32
    %dma_start3A_78 = arith.constant 0 : i32
    %dma_start3A_79 = tpu.memref_slice %arg3[%dma_start3A_77, %dma_start3A_78] : memref<1000000x64xf32, #tpu.memory_space<hbm>> -> memref<1000000x64xf32, #tpu.memory_space<hbm>>
    tpu.enqueue_indirect_dma source(%dma_start3A_79 : memref<1000000x64xf32, #tpu.memory_space<hbm>>) target(%dma_start3A_73 : memref<200x64xf32, #tpu.memory_space<vmem>>) offsets(%dma_start3A_76 : memref<200xi32, #tpu.memory_space<vmem>>) semaphore(%arg7 : memref<!tpu.dma_semaphore, #tpu.memory_space<semaphore_mem>>)
    %dma_wait3A_80 = arith.constant 1 : i32
    %dma_wait3A_81 = arith.constant 1 : i32
    %dma_wait3A_82 = arith.constant 0 : i32
    %dma_wait3A_83 = arith.constant 0 : i32
    %dma_wait3A_84 = tpu.memref_slice %arg6[%dma_wait3A_81, %dma_wait3A_82, %dma_wait3A_83] : memref<4x200x64xf32, #tpu.memory_space<vmem>> -> memref<1x200x64xf32, #tpu.memory_space<vmem>>
    %dma_wait3A_85 = tpu.memref_squeeze %dma_wait3A_84 : memref<1x200x64xf32, #tpu.memory_space<vmem>> -> memref<200x64xf32, #tpu.memory_space<vmem>>
    %dma_wait3A_86 = arith.constant 0 : i32
    %dma_wait3A_87 = tpu.memref_slice %arg5[%dma_wait3A_80, %dma_wait3A_86] : memref<128x200xi32, #tpu.memory_space<vmem>> -> memref<1x200xi32, #tpu.memory_space<vmem>>
    %dma_wait3A_88 = tpu.memref_squeeze %dma_wait3A_87 : memref<1x200xi32, #tpu.memory_space<vmem>> -> memref<200xi32, #tpu.memory_space<vmem>>
    %dma_wait3A_89 = arith.constant 0 : i32
    %dma_wait3A_90 = arith.constant 0 : i32
    %dma_wait3A_91 = tpu.memref_slice %arg3[%dma_wait3A_89, %dma_wait3A_90] : memref<1000000x64xf32, #tpu.memory_space<hbm>> -> memref<1000000x64xf32, #tpu.memory_space<hbm>>
    tpu.wait_indirect_dma semaphore(%arg7 : memref<!tpu.dma_semaphore, #tpu.memory_space<semaphore_mem>>) src(%dma_wait3A_91 : memref<1000000x64xf32, #tpu.memory_space<hbm>>) dst(%dma_wait3A_85 : memref<200x64xf32, #tpu.memory_space<vmem>>)
    %add3A_92 = arith.constant 1 : i32
    %add3A_93 = arith.addi %mul3A_2, %add3A_92 : i32
    %dma_start3A_94 = arith.constant 1 : i32
    %dma_start3A_95 = arith.constant 0 : i32
    %dma_start3A_96 = arith.constant 0 : i32
    %dma_start3A_97 = tpu.memref_slice %arg6[%dma_start3A_94, %dma_start3A_95, %dma_start3A_96] : memref<4x200x64xf32, #tpu.memory_space<vmem>> -> memref<1x200x64xf32, #tpu.memory_space<vmem>>
    %dma_start3A_98 = tpu.memref_squeeze %dma_start3A_97 : memref<1x200x64xf32, #tpu.memory_space<vmem>> -> memref<200x64xf32, #tpu.memory_space<vmem>>
    %dma_start3A_99 = arith.constant 0 : i32
    %dma_start3A_100 = arith.constant 0 : i32
    %dma_start3A_101 = tpu.memref_slice %arg4[%add3A_93, %dma_start3A_99, %dma_start3A_100] : memref<4096x200x128xf32, #tpu.memory_space<hbm>> -> memref<1x200x64xf32, #tpu.memory_space<hbm>>
    %dma_start3A_102 = tpu.memref_squeeze %dma_start3A_101 : memref<1x200x64xf32, #tpu.memory_space<hbm>> -> memref<200x64xf32, #tpu.memory_space<hbm>>
    %dma_start3A_103 = arith.constant 0 : i32
    %dma_start3A_104 = arith.constant 0 : i32
    %dma_start3A_105 = tpu.memref_slice %arg4[%add3A_93, %dma_start3A_103, %dma_start3A_104] : memref<4096x200x128xf32, #tpu.memory_space<hbm>> -> memref<1x200x64xf32, #tpu.memory_space<hbm>>
    %dma_start3A_106 = tpu.memref_squeeze %dma_start3A_105 : memref<1x200x64xf32, #tpu.memory_space<hbm>> -> memref<200x64xf32, #tpu.memory_space<hbm>>
    %dma_start3A_107 = arith.constant 0 : i32
    %dma_start3A_108 = arith.constant 0 : i32
    %dma_start3A_109 = tpu.memref_slice %arg6[%dma_start3A_94, %dma_start3A_107, %dma_start3A_108] : memref<4x200x64xf32, #tpu.memory_space<vmem>> -> memref<1x200x64xf32, #tpu.memory_space<vmem>>
    %dma_start3A_110 = tpu.memref_squeeze %dma_start3A_109 : memref<1x200x64xf32, #tpu.memory_space<vmem>> -> memref<200x64xf32, #tpu.memory_space<vmem>>
    tpu.enqueue_dma source(%dma_start3A_110 : memref<200x64xf32, #tpu.memory_space<vmem>>) target(%dma_start3A_106 : memref<200x64xf32, #tpu.memory_space<hbm>>) target_semaphore(%arg8 : memref<!tpu.dma_semaphore, #tpu.memory_space<semaphore_mem>>)
    %add3A_111 = arith.constant 0 : i32
    %add3A_112 = arith.addi %mul3A_2, %add3A_111 : i32
    %dma_wait3A_113 = arith.constant 0 : i32
    %dma_wait3A_114 = arith.constant 0 : i32
    %dma_wait3A_115 = arith.constant 0 : i32
    %dma_wait3A_116 = tpu.memref_slice %arg6[%dma_wait3A_113, %dma_wait3A_114, %dma_wait3A_115] : memref<4x200x64xf32, #tpu.memory_space<vmem>> -> memref<1x200x64xf32, #tpu.memory_space<vmem>>
    %dma_wait3A_117 = tpu.memref_squeeze %dma_wait3A_116 : memref<1x200x64xf32, #tpu.memory_space<vmem>> -> memref<200x64xf32, #tpu.memory_space<vmem>>
    %dma_wait3A_118 = arith.constant 0 : i32
    %dma_wait3A_119 = arith.constant 0 : i32
    %dma_wait3A_120 = tpu.memref_slice %arg4[%add3A_112, %dma_wait3A_118, %dma_wait3A_119] : memref<4096x200x128xf32, #tpu.memory_space<hbm>> -> memref<1x200x64xf32, #tpu.memory_space<hbm>>
    %dma_wait3A_121 = tpu.memref_squeeze %dma_wait3A_120 : memref<1x200x64xf32, #tpu.memory_space<hbm>> -> memref<200x64xf32, #tpu.memory_space<hbm>>
    %dma_wait3A_122 = arith.constant 0 : i32
    %dma_wait3A_123 = arith.constant 0 : i32
    %dma_wait3A_124 = tpu.memref_slice %arg4[%add3A_112, %dma_wait3A_122, %dma_wait3A_123] : memref<4096x200x128xf32, #tpu.memory_space<hbm>> -> memref<1x200x64xf32, #tpu.memory_space<hbm>>
    %dma_wait3A_125 = tpu.memref_squeeze %dma_wait3A_124 : memref<1x200x64xf32, #tpu.memory_space<hbm>> -> memref<200x64xf32, #tpu.memory_space<hbm>>
    %dma_wait3A_126 = arith.constant 0 : i32
    %dma_wait3A_127 = arith.constant 0 : i32
    %dma_wait3A_128 = tpu.memref_slice %arg6[%dma_wait3A_113, %dma_wait3A_126, %dma_wait3A_127] : memref<4x200x64xf32, #tpu.memory_space<vmem>> -> memref<1x200x64xf32, #tpu.memory_space<vmem>>
    %dma_wait3A_129 = tpu.memref_squeeze %dma_wait3A_128 : memref<1x200x64xf32, #tpu.memory_space<vmem>> -> memref<200x64xf32, #tpu.memory_space<vmem>>
    tpu.wait_dma2 semaphore(%arg8 : memref<!tpu.dma_semaphore, #tpu.memory_space<semaphore_mem>>) src(%dma_wait3A_129 : memref<200x64xf32, #tpu.memory_space<vmem>>) dst(%dma_wait3A_125 : memref<200x64xf32, #tpu.memory_space<hbm>>)
    %dma_start3A_130 = arith.constant 4 : i32
    %dma_start3A_131 = arith.constant 0 : i32
    %dma_start3A_132 = arith.constant 0 : i32
    %dma_start3A_133 = arith.constant 0 : i32
    %dma_start3A_134 = tpu.memref_slice %arg6[%dma_start3A_131, %dma_start3A_132, %dma_start3A_133] : memref<4x200x64xf32, #tpu.memory_space<vmem>> -> memref<1x200x64xf32, #tpu.memory_space<vmem>>
    %dma_start3A_135 = tpu.memref_squeeze %dma_start3A_134 : memref<1x200x64xf32, #tpu.memory_space<vmem>> -> memref<200x64xf32, #tpu.memory_space<vmem>>
    %dma_start3A_136 = arith.constant 0 : i32
    %dma_start3A_137 = tpu.memref_slice %arg5[%dma_start3A_130, %dma_start3A_136] : memref<128x200xi32, #tpu.memory_space<vmem>> -> memref<1x200xi32, #tpu.memory_space<vmem>>
    %dma_start3A_138 = tpu.memref_squeeze %dma_start3A_137 : memref<1x200xi32, #tpu.memory_space<vmem>> -> memref<200xi32, #tpu.memory_space<vmem>>
    %dma_start3A_139 = arith.constant 0 : i32
    %dma_start3A_140 = arith.constant 0 : i32
    %dma_start3A_141 = tpu.memref_slice %arg3[%dma_start3A_139, %dma_start3A_140] : memref<1000000x64xf32, #tpu.memory_space<hbm>> -> memref<1000000x64xf32, #tpu.memory_space<hbm>>
    tpu.enqueue_indirect_dma source(%dma_start3A_141 : memref<1000000x64xf32, #tpu.memory_space<hbm>>) target(%dma_start3A_135 : memref<200x64xf32, #tpu.memory_space<vmem>>) offsets(%dma_start3A_138 : memref<200xi32, #tpu.memory_space<vmem>>) semaphore(%arg7 : memref<!tpu.dma_semaphore, #tpu.memory_space<semaphore_mem>>)
    %dma_wait3A_142 = arith.constant 2 : i32
    %dma_wait3A_143 = arith.constant 2 : i32
    %dma_wait3A_144 = arith.constant 0 : i32
    %dma_wait3A_145 = arith.constant 0 : i32
    %dma_wait3A_146 = tpu.memref_slice %arg6[%dma_wait3A_143, %dma_wait3A_144, %dma_wait3A_145] : memref<4x200x64xf32, #tpu.memory_space<vmem>> -> memref<1x200x64xf32, #tpu.memory_space<vmem>>
    %dma_wait3A_147 = tpu.memref_squeeze %dma_wait3A_146 : memref<1x200x64xf32, #tpu.memory_space<vmem>> -> memref<200x64xf32, #tpu.memory_space<vmem>>
    %dma_wait3A_148 = arith.constant 0 : i32
    %dma_wait3A_149 = tpu.memref_slice %arg5[%dma_wait3A_142, %dma_wait3A_148] : memref<128x200xi32, #tpu.memory_space<vmem>> -> memref<1x200xi32, #tpu.memory_space<vmem>>
    %dma_wait3A_150 = tpu.memref_squeeze %dma_wait3A_149 : memref<1x200xi32, #tpu.memory_space<vmem>> -> memref<200xi32, #tpu.memory_space<vmem>>
    %dma_wait3A_151 = arith.constant 0 : i32
    %dma_wait3A_152 = arith.constant 0 : i32
    %dma_wait3A_153 = tpu.memref_slice %arg3[%dma_wait3A_151, %dma_wait3A_152] : memref<1000000x64xf32, #tpu.memory_space<hbm>> -> memref<1000000x64xf32, #tpu.memory_space<hbm>>
    tpu.wait_indirect_dma semaphore(%arg7 : memref<!tpu.dma_semaphore, #tpu.memory_space<semaphore_mem>>) src(%dma_wait3A_153 : memref<1000000x64xf32, #tpu.memory_space<hbm>>) dst(%dma_wait3A_147 : memref<200x64xf32, #tpu.memory_space<vmem>>)
    %add3A_154 = arith.constant 2 : i32
    %add3A_155 = arith.addi %mul3A_2, %add3A_154 : i32
    %dma_start3A_156 = arith.constant 2 : i32
    %dma_start3A_157 = arith.constant 0 : i32
    %dma_start3A_158 = arith.constant 0 : i32
    %dma_start3A_159 = tpu.memref_slice %arg6[%dma_start3A_156, %dma_start3A_157, %dma_start3A_158] : memref<4x200x64xf32, #tpu.memory_space<vmem>> -> memref<1x200x64xf32, #tpu.memory_space<vmem>>
    %dma_start3A_160 = tpu.memref_squeeze %dma_start3A_159 : memref<1x200x64xf32, #tpu.memory_space<vmem>> -> memref<200x64xf32, #tpu.memory_space<vmem>>
    %dma_start3A_161 = arith.constant 0 : i32
    %dma_start3A_162 = arith.constant 0 : i32
    %dma_start3A_163 = tpu.memref_slice %arg4[%add3A_155, %dma_start3A_161, %dma_start3A_162] : memref<4096x200x128xf32, #tpu.memory_space<hbm>> -> memref<1x200x64xf32, #tpu.memory_space<hbm>>
    %dma_start3A_164 = tpu.memref_squeeze %dma_start3A_163 : memref<1x200x64xf32, #tpu.memory_space<hbm>> -> memref<200x64xf32, #tpu.memory_space<hbm>>
    %dma_start3A_165 = arith.constant 0 : i32
    %dma_start3A_166 = arith.constant 0 : i32
    %dma_start3A_167 = tpu.memref_slice %arg4[%add3A_155, %dma_start3A_165, %dma_start3A_166] : memref<4096x200x128xf32, #tpu.memory_space<hbm>> -> memref<1x200x64xf32, #tpu.memory_space<hbm>>
    %dma_start3A_168 = tpu.memref_squeeze %dma_start3A_167 : memref<1x200x64xf32, #tpu.memory_space<hbm>> -> memref<200x64xf32, #tpu.memory_space<hbm>>
    %dma_start3A_169 = arith.constant 0 : i32
    %dma_start3A_170 = arith.constant 0 : i32
    %dma_start3A_171 = tpu.memref_slice %arg6[%dma_start3A_156, %dma_start3A_169, %dma_start3A_170] : memref<4x200x64xf32, #tpu.memory_space<vmem>> -> memref<1x200x64xf32, #tpu.memory_space<vmem>>
    %dma_start3A_172 = tpu.memref_squeeze %dma_start3A_171 : memref<1x200x64xf32, #tpu.memory_space<vmem>> -> memref<200x64xf32, #tpu.memory_space<vmem>>
    tpu.enqueue_dma source(%dma_start3A_172 : memref<200x64xf32, #tpu.memory_space<vmem>>) target(%dma_start3A_168 : memref<200x64xf32, #tpu.memory_space<hbm>>) target_semaphore(%arg8 : memref<!tpu.dma_semaphore, #tpu.memory_space<semaphore_mem>>)
    %add3A_173 = arith.constant 1 : i32
    %add3A_174 = arith.addi %mul3A_2, %add3A_173 : i32
    %dma_wait3A_175 = arith.constant 1 : i32
    %dma_wait3A_176 = arith.constant 0 : i32
    %dma_wait3A_177 = arith.constant 0 : i32
    %dma_wait3A_178 = tpu.memref_slice %arg6[%dma_wait3A_175, %dma_wait3A_176, %dma_wait3A_177] : memref<4x200x64xf32, #tpu.memory_space<vmem>> -> memref<1x200x64xf32, #tpu.memory_space<vmem>>
    %dma_wait3A_179 = tpu.memref_squeeze %dma_wait3A_178 : memref<1x200x64xf32, #tpu.memory_space<vmem>> -> memref<200x64xf32, #tpu.memory_space<vmem>>
    %dma_wait3A_180 = arith.constant 0 : i32
    %dma_wait3A_181 = arith.constant 0 : i32
    %dma_wait3A_182 = tpu.memref_slice %arg4[%add3A_174, %dma_wait3A_180, %dma_wait3A_181] : memref<4096x200x128xf32, #tpu.memory_space<hbm>> -> memref<1x200x64xf32, #tpu.memory_space<hbm>>
    %dma_wait3A_183 = tpu.memref_squeeze %dma_wait3A_182 : memref<1x200x64xf32, #tpu.memory_space<hbm>> -> memref<200x64xf32, #tpu.memory_space<hbm>>
    %dma_wait3A_184 = arith.constant 0 : i32
    %dma_wait3A_185 = arith.constant 0 : i32
    %dma_wait3A_186 = tpu.memref_slice %arg4[%add3A_174, %dma_wait3A_184, %dma_wait3A_185] : memref<4096x200x128xf32, #tpu.memory_space<hbm>> -> memref<1x200x64xf32, #tpu.memory_space<hbm>>
    %dma_wait3A_187 = tpu.memref_squeeze %dma_wait3A_186 : memref<1x200x64xf32, #tpu.memory_space<hbm>> -> memref<200x64xf32, #tpu.memory_space<hbm>>
    %dma_wait3A_188 = arith.constant 0 : i32
    %dma_wait3A_189 = arith.constant 0 : i32
    %dma_wait3A_190 = tpu.memref_slice %arg6[%dma_wait3A_175, %dma_wait3A_188, %dma_wait3A_189] : memref<4x200x64xf32, #tpu.memory_space<vmem>> -> memref<1x200x64xf32, #tpu.memory_space<vmem>>
    %dma_wait3A_191 = tpu.memref_squeeze %dma_wait3A_190 : memref<1x200x64xf32, #tpu.memory_space<vmem>> -> memref<200x64xf32, #tpu.memory_space<vmem>>
    tpu.wait_dma2 semaphore(%arg8 : memref<!tpu.dma_semaphore, #tpu.memory_space<semaphore_mem>>) src(%dma_wait3A_191 : memref<200x64xf32, #tpu.memory_space<vmem>>) dst(%dma_wait3A_187 : memref<200x64xf32, #tpu.memory_space<hbm>>)
    %dma_start3A_192 = arith.constant 5 : i32
    %dma_start3A_193 = arith.constant 1 : i32
    %dma_start3A_194 = arith.constant 0 : i32
    %dma_start3A_195 = arith.constant 0 : i32
    %dma_start3A_196 = tpu.memref_slice %arg6[%dma_start3A_193, %dma_start3A_194, %dma_start3A_195] : memref<4x200x64xf32, #tpu.memory_space<vmem>> -> memref<1x200x64xf32, #tpu.memory_space<vmem>>
    %dma_start3A_197 = tpu.memref_squeeze %dma_start3A_196 : memref<1x200x64xf32, #tpu.memory_space<vmem>> -> memref<200x64xf32, #tpu.memory_space<vmem>>
    %dma_start3A_198 = arith.constant 0 : i32
    %dma_start3A_199 = tpu.memref_slice %arg5[%dma_start3A_192, %dma_start3A_198] : memref<128x200xi32, #tpu.memory_space<vmem>> -> memref<1x200xi32, #tpu.memory_space<vmem>>
    %dma_start3A_200 = tpu.memref_squeeze %dma_start3A_199 : memref<1x200xi32, #tpu.memory_space<vmem>> -> memref<200xi32, #tpu.memory_space<vmem>>
    %dma_start3A_201 = arith.constant 0 : i32
    %dma_start3A_202 = arith.constant 0 : i32
    %dma_start3A_203 = tpu.memref_slice %arg3[%dma_start3A_201, %dma_start3A_202] : memref<1000000x64xf32, #tpu.memory_space<hbm>> -> memref<1000000x64xf32, #tpu.memory_space<hbm>>
    tpu.enqueue_indirect_dma source(%dma_start3A_203 : memref<1000000x64xf32, #tpu.memory_space<hbm>>) target(%dma_start3A_197 : memref<200x64xf32, #tpu.memory_space<vmem>>) offsets(%dma_start3A_200 : memref<200xi32, #tpu.memory_space<vmem>>) semaphore(%arg7 : memref<!tpu.dma_semaphore, #tpu.memory_space<semaphore_mem>>)
    %dma_wait3A_204 = arith.constant 3 : i32
    %dma_wait3A_205 = arith.constant 3 : i32
    %dma_wait3A_206 = arith.constant 0 : i32
    %dma_wait3A_207 = arith.constant 0 : i32
    %dma_wait3A_208 = tpu.memref_slice %arg6[%dma_wait3A_205, %dma_wait3A_206, %dma_wait3A_207] : memref<4x200x64xf32, #tpu.memory_space<vmem>> -> memref<1x200x64xf32, #tpu.memory_space<vmem>>
    %dma_wait3A_209 = tpu.memref_squeeze %dma_wait3A_208 : memref<1x200x64xf32, #tpu.memory_space<vmem>> -> memref<200x64xf32, #tpu.memory_space<vmem>>
    %dma_wait3A_210 = arith.constant 0 : i32
    %dma_wait3A_211 = tpu.memref_slice %arg5[%dma_wait3A_204, %dma_wait3A_210] : memref<128x200xi32, #tpu.memory_space<vmem>> -> memref<1x200xi32, #tpu.memory_space<vmem>>
    %dma_wait3A_212 = tpu.memref_squeeze %dma_wait3A_211 : memref<1x200xi32, #tpu.memory_space<vmem>> -> memref<200xi32, #tpu.memory_space<vmem>>
    %dma_wait3A_213 = arith.constant 0 : i32
    %dma_wait3A_214 = arith.constant 0 : i32
    %dma_wait3A_215 = tpu.memref_slice %arg3[%dma_wait3A_213, %dma_wait3A_214] : memref<1000000x64xf32, #tpu.memory_space<hbm>> -> memref<1000000x64xf32, #tpu.memory_space<hbm>>
    tpu.wait_indirect_dma semaphore(%arg7 : memref<!tpu.dma_semaphore, #tpu.memory_space<semaphore_mem>>) src(%dma_wait3A_215 : memref<1000000x64xf32, #tpu.memory_space<hbm>>) dst(%dma_wait3A_209 : memref<200x64xf32, #tpu.memory_space<vmem>>)
    %add3A_216 = arith.constant 3 : i32
    %add3A_217 = arith.addi %mul3A_2, %add3A_216 : i32
    %dma_start3A_218 = arith.constant 3 : i32
    %dma_start3A_219 = arith.constant 0 : i32
    %dma_start3A_220 = arith.constant 0 : i32
    %dma_start3A_221 = tpu.memref_slice %arg6[%dma_start3A_218, %dma_start3A_219, %dma_start3A_220] : memref<4x200x64xf32, #tpu.memory_space<vmem>> -> memref<1x200x64xf32, #tpu.memory_space<vmem>>
    %dma_start3A_222 = tpu.memref_squeeze %dma_start3A_221 : memref<1x200x64xf32, #tpu.memory_space<vmem>> -> memref<200x64xf32, #tpu.memory_space<vmem>>
    %dma_start3A_223 = arith.constant 0 : i32
    %dma_start3A_224 = arith.constant 0 : i32
    %dma_start3A_225 = tpu.memref_slice %arg4[%add3A_217, %dma_start3A_223, %dma_start3A_224] : memref<4096x200x128xf32, #tpu.memory_space<hbm>> -> memref<1x200x64xf32, #tpu.memory_space<hbm>>
    %dma_start3A_226 = tpu.memref_squeeze %dma_start3A_225 : memref<1x200x64xf32, #tpu.memory_space<hbm>> -> memref<200x64xf32, #tpu.memory_space<hbm>>
    %dma_start3A_227 = arith.constant 0 : i32
    %dma_start3A_228 = arith.constant 0 : i32
    %dma_start3A_229 = tpu.memref_slice %arg4[%add3A_217, %dma_start3A_227, %dma_start3A_228] : memref<4096x200x128xf32, #tpu.memory_space<hbm>> -> memref<1x200x64xf32, #tpu.memory_space<hbm>>
    %dma_start3A_230 = tpu.memref_squeeze %dma_start3A_229 : memref<1x200x64xf32, #tpu.memory_space<hbm>> -> memref<200x64xf32, #tpu.memory_space<hbm>>
    %dma_start3A_231 = arith.constant 0 : i32
    %dma_start3A_232 = arith.constant 0 : i32
    %dma_start3A_233 = tpu.memref_slice %arg6[%dma_start3A_218, %dma_start3A_231, %dma_start3A_232] : memref<4x200x64xf32, #tpu.memory_space<vmem>> -> memref<1x200x64xf32, #tpu.memory_space<vmem>>
    %dma_start3A_234 = tpu.memref_squeeze %dma_start3A_233 : memref<1x200x64xf32, #tpu.memory_space<vmem>> -> memref<200x64xf32, #tpu.memory_space<vmem>>
    tpu.enqueue_dma source(%dma_start3A_234 : memref<200x64xf32, #tpu.memory_space<vmem>>) target(%dma_start3A_230 : memref<200x64xf32, #tpu.memory_space<hbm>>) target_semaphore(%arg8 : memref<!tpu.dma_semaphore, #tpu.memory_space<semaphore_mem>>)
    %add3A_235 = arith.constant 2 : i32
    %add3A_236 = arith.addi %mul3A_2, %add3A_235 : i32
    %dma_wait3A_237 = arith.constant 2 : i32
    %dma_wait3A_238 = arith.constant 0 : i32
    %dma_wait3A_239 = arith.constant 0 : i32
    %dma_wait3A_240 = tpu.memref_slice %arg6[%dma_wait3A_237, %dma_wait3A_238, %dma_wait3A_239] : memref<4x200x64xf32, #tpu.memory_space<vmem>> -> memref<1x200x64xf32, #tpu.memory_space<vmem>>
    %dma_wait3A_241 = tpu.memref_squeeze %dma_wait3A_240 : memref<1x200x64xf32, #tpu.memory_space<vmem>> -> memref<200x64xf32, #tpu.memory_space<vmem>>
    %dma_wait3A_242 = arith.constant 0 : i32
    %dma_wait3A_243 = arith.constant 0 : i32
    %dma_wait3A_244 = tpu.memref_slice %arg4[%add3A_236, %dma_wait3A_242, %dma_wait3A_243] : memref<4096x200x128xf32, #tpu.memory_space<hbm>> -> memref<1x200x64xf32, #tpu.memory_space<hbm>>
    %dma_wait3A_245 = tpu.memref_squeeze %dma_wait3A_244 : memref<1x200x64xf32, #tpu.memory_space<hbm>> -> memref<200x64xf32, #tpu.memory_space<hbm>>
    %dma_wait3A_246 = arith.constant 0 : i32
    %dma_wait3A_247 = arith.constant 0 : i32
    %dma_wait3A_248 = tpu.memref_slice %arg4[%add3A_236, %dma_wait3A_246, %dma_wait3A_247] : memref<4096x200x128xf32, #tpu.memory_space<hbm>> -> memref<1x200x64xf32, #tpu.memory_space<hbm>>
    %dma_wait3A_249 = tpu.memref_squeeze %dma_wait3A_248 : memref<1x200x64xf32, #tpu.memory_space<hbm>> -> memref<200x64xf32, #tpu.memory_space<hbm>>
    %dma_wait3A_250 = arith.constant 0 : i32
    %dma_wait3A_251 = arith.constant 0 : i32
    %dma_wait3A_252 = tpu.memref_slice %arg6[%dma_wait3A_237, %dma_wait3A_250, %dma_wait3A_251] : memref<4x200x64xf32, #tpu.memory_space<vmem>> -> memref<1x200x64xf32, #tpu.memory_space<vmem>>
    %dma_wait3A_253 = tpu.memref_squeeze %dma_wait3A_252 : memref<1x200x64xf32, #tpu.memory_space<vmem>> -> memref<200x64xf32, #tpu.memory_space<vmem>>
    tpu.wait_dma2 semaphore(%arg8 : memref<!tpu.dma_semaphore, #tpu.memory_space<semaphore_mem>>) src(%dma_wait3A_253 : memref<200x64xf32, #tpu.memory_space<vmem>>) dst(%dma_wait3A_249 : memref<200x64xf32, #tpu.memory_space<hbm>>)
    %dma_start3A_254 = arith.constant 6 : i32
    %dma_start3A_255 = arith.constant 2 : i32
    %dma_start3A_256 = arith.constant 0 : i32
    %dma_start3A_257 = arith.constant 0 : i32
    %dma_start3A_258 = tpu.memref_slice %arg6[%dma_start3A_255, %dma_start3A_256, %dma_start3A_257] : memref<4x200x64xf32, #tpu.memory_space<vmem>> -> memref<1x200x64xf32, #tpu.memory_space<vmem>>
    %dma_start3A_259 = tpu.memref_squeeze %dma_start3A_258 : memref<1x200x64xf32, #tpu.memory_space<vmem>> -> memref<200x64xf32, #tpu.memory_space<vmem>>
    %dma_start3A_260 = arith.constant 0 : i32
    %dma_start3A_261 = tpu.memref_slice %arg5[%dma_start3A_254, %dma_start3A_260] : memref<128x200xi32, #tpu.memory_space<vmem>> -> memref<1x200xi32, #tpu.memory_space<vmem>>
    %dma_start3A_262 = tpu.memref_squeeze %dma_start3A_261 : memref<1x200xi32, #tpu.memory_space<vmem>> -> memref<200xi32, #tpu.memory_space<vmem>>
    %dma_start3A_263 = arith.constant 0 : i32
    %dma_start3A_264 = arith.constant 0 : i32
    %dma_start3A_265 = tpu.memref_slice %arg3[%dma_start3A_263, %dma_start3A_264] : memref<1000000x64xf32, #tpu.memory_space<hbm>> -> memref<1000000x64xf32, #tpu.memory_space<hbm>>
    tpu.enqueue_indirect_dma source(%dma_start3A_265 : memref<1000000x64xf32, #tpu.memory_space<hbm>>) target(%dma_start3A_259 : memref<200x64xf32, #tpu.memory_space<vmem>>) offsets(%dma_start3A_262 : memref<200xi32, #tpu.memory_space<vmem>>) semaphore(%arg7 : memref<!tpu.dma_semaphore, #tpu.memory_space<semaphore_mem>>)
    %scan3A = arith.constant 0 : i32
    %scan3A_266 = arith.constant 30 : i32
    %scan3A_267 = arith.addi %scan3A, %scan3A_266 : i32
    %scan3A_268 = arith.constant 1 : i32
    scf.for %scan3A_501 = %scan3A to %scan3A_267 step %scan3A_268  : i32 {
      %mul3A_502 = arith.constant 4 : i32
      %mul3A_503 = arith.muli %scan3A_501, %mul3A_502 : i32
      %add3A_504 = arith.constant 4 : i32
      %add3A_505 = arith.addi %add3A_504, %mul3A_503 : i32
      %add3A_506 = arith.constant 0 : i32
      %add3A_507 = arith.addi %add3A_505, %add3A_506 : i32
      %dma_wait3A_508 = arith.constant 0 : i32
      %dma_wait3A_509 = arith.constant 0 : i32
      %dma_wait3A_510 = arith.constant 0 : i32
      %dma_wait3A_511 = tpu.memref_slice %arg6[%dma_wait3A_508, %dma_wait3A_509, %dma_wait3A_510] : memref<4x200x64xf32, #tpu.memory_space<vmem>> -> memref<1x200x64xf32, #tpu.memory_space<vmem>>
      %dma_wait3A_512 = tpu.memref_squeeze %dma_wait3A_511 : memref<1x200x64xf32, #tpu.memory_space<vmem>> -> memref<200x64xf32, #tpu.memory_space<vmem>>
      %dma_wait3A_513 = arith.constant 0 : i32
      %dma_wait3A_514 = tpu.memref_slice %arg5[%add3A_507, %dma_wait3A_513] : memref<128x200xi32, #tpu.memory_space<vmem>> -> memref<1x200xi32, #tpu.memory_space<vmem>>
      %dma_wait3A_515 = tpu.memref_squeeze %dma_wait3A_514 : memref<1x200xi32, #tpu.memory_space<vmem>> -> memref<200xi32, #tpu.memory_space<vmem>>
      %dma_wait3A_516 = arith.constant 0 : i32
      %dma_wait3A_517 = arith.constant 0 : i32
      %dma_wait3A_518 = tpu.memref_slice %arg3[%dma_wait3A_516, %dma_wait3A_517] : memref<1000000x64xf32, #tpu.memory_space<hbm>> -> memref<1000000x64xf32, #tpu.memory_space<hbm>>
      tpu.wait_indirect_dma semaphore(%arg7 : memref<!tpu.dma_semaphore, #tpu.memory_space<semaphore_mem>>) src(%dma_wait3A_518 : memref<1000000x64xf32, #tpu.memory_space<hbm>>) dst(%dma_wait3A_512 : memref<200x64xf32, #tpu.memory_space<vmem>>)
      %add3A_519 = arith.addi %mul3A_2, %add3A_507 : i32
      %dma_start3A_520 = arith.constant 0 : i32
      %dma_start3A_521 = arith.constant 0 : i32
      %dma_start3A_522 = arith.constant 0 : i32
      %dma_start3A_523 = tpu.memref_slice %arg6[%dma_start3A_520, %dma_start3A_521, %dma_start3A_522] : memref<4x200x64xf32, #tpu.memory_space<vmem>> -> memref<1x200x64xf32, #tpu.memory_space<vmem>>
      %dma_start3A_524 = tpu.memref_squeeze %dma_start3A_523 : memref<1x200x64xf32, #tpu.memory_space<vmem>> -> memref<200x64xf32, #tpu.memory_space<vmem>>
      %dma_start3A_525 = arith.constant 0 : i32
      %dma_start3A_526 = arith.constant 0 : i32
      %dma_start3A_527 = tpu.memref_slice %arg4[%add3A_519, %dma_start3A_525, %dma_start3A_526] : memref<4096x200x128xf32, #tpu.memory_space<hbm>> -> memref<1x200x64xf32, #tpu.memory_space<hbm>>
      %dma_start3A_528 = tpu.memref_squeeze %dma_start3A_527 : memref<1x200x64xf32, #tpu.memory_space<hbm>> -> memref<200x64xf32, #tpu.memory_space<hbm>>
      %dma_start3A_529 = arith.constant 0 : i32
      %dma_start3A_530 = arith.constant 0 : i32
      %dma_start3A_531 = tpu.memref_slice %arg4[%add3A_519, %dma_start3A_529, %dma_start3A_530] : memref<4096x200x128xf32, #tpu.memory_space<hbm>> -> memref<1x200x64xf32, #tpu.memory_space<hbm>>
      %dma_start3A_532 = tpu.memref_squeeze %dma_start3A_531 : memref<1x200x64xf32, #tpu.memory_space<hbm>> -> memref<200x64xf32, #tpu.memory_space<hbm>>
      %dma_start3A_533 = arith.constant 0 : i32
      %dma_start3A_534 = arith.constant 0 : i32
      %dma_start3A_535 = tpu.memref_slice %arg6[%dma_start3A_520, %dma_start3A_533, %dma_start3A_534] : memref<4x200x64xf32, #tpu.memory_space<vmem>> -> memref<1x200x64xf32, #tpu.memory_space<vmem>>
      %dma_start3A_536 = tpu.memref_squeeze %dma_start3A_535 : memref<1x200x64xf32, #tpu.memory_space<vmem>> -> memref<200x64xf32, #tpu.memory_space<vmem>>
      tpu.enqueue_dma source(%dma_start3A_536 : memref<200x64xf32, #tpu.memory_space<vmem>>) target(%dma_start3A_532 : memref<200x64xf32, #tpu.memory_space<hbm>>) target_semaphore(%arg8 : memref<!tpu.dma_semaphore, #tpu.memory_space<semaphore_mem>>)
      %sub3A = arith.constant 1 : i32
      %sub3A_537 = arith.subi %add3A_507, %sub3A : i32
      %add3A_538 = arith.addi %mul3A_2, %sub3A_537 : i32
      %dma_wait3A_539 = arith.constant 3 : i32
      %dma_wait3A_540 = arith.constant 0 : i32
      %dma_wait3A_541 = arith.constant 0 : i32
      %dma_wait3A_542 = tpu.memref_slice %arg6[%dma_wait3A_539, %dma_wait3A_540, %dma_wait3A_541] : memref<4x200x64xf32, #tpu.memory_space<vmem>> -> memref<1x200x64xf32, #tpu.memory_space<vmem>>
      %dma_wait3A_543 = tpu.memref_squeeze %dma_wait3A_542 : memref<1x200x64xf32, #tpu.memory_space<vmem>> -> memref<200x64xf32, #tpu.memory_space<vmem>>
      %dma_wait3A_544 = arith.constant 0 : i32
      %dma_wait3A_545 = arith.constant 0 : i32
      %dma_wait3A_546 = tpu.memref_slice %arg4[%add3A_538, %dma_wait3A_544, %dma_wait3A_545] : memref<4096x200x128xf32, #tpu.memory_space<hbm>> -> memref<1x200x64xf32, #tpu.memory_space<hbm>>
      %dma_wait3A_547 = tpu.memref_squeeze %dma_wait3A_546 : memref<1x200x64xf32, #tpu.memory_space<hbm>> -> memref<200x64xf32, #tpu.memory_space<hbm>>
      %dma_wait3A_548 = arith.constant 0 : i32
      %dma_wait3A_549 = arith.constant 0 : i32
      %dma_wait3A_550 = tpu.memref_slice %arg4[%add3A_538, %dma_wait3A_548, %dma_wait3A_549] : memref<4096x200x128xf32, #tpu.memory_space<hbm>> -> memref<1x200x64xf32, #tpu.memory_space<hbm>>
      %dma_wait3A_551 = tpu.memref_squeeze %dma_wait3A_550 : memref<1x200x64xf32, #tpu.memory_space<hbm>> -> memref<200x64xf32, #tpu.memory_space<hbm>>
      %dma_wait3A_552 = arith.constant 0 : i32
      %dma_wait3A_553 = arith.constant 0 : i32
      %dma_wait3A_554 = tpu.memref_slice %arg6[%dma_wait3A_539, %dma_wait3A_552, %dma_wait3A_553] : memref<4x200x64xf32, #tpu.memory_space<vmem>> -> memref<1x200x64xf32, #tpu.memory_space<vmem>>
      %dma_wait3A_555 = tpu.memref_squeeze %dma_wait3A_554 : memref<1x200x64xf32, #tpu.memory_space<vmem>> -> memref<200x64xf32, #tpu.memory_space<vmem>>
      tpu.wait_dma2 semaphore(%arg8 : memref<!tpu.dma_semaphore, #tpu.memory_space<semaphore_mem>>) src(%dma_wait3A_555 : memref<200x64xf32, #tpu.memory_space<vmem>>) dst(%dma_wait3A_551 : memref<200x64xf32, #tpu.memory_space<hbm>>)
      %add3A_556 = arith.constant 3 : i32
      %add3A_557 = arith.addi %add3A_507, %add3A_556 : i32
      %dma_start3A_558 = arith.constant 3 : i32
      %dma_start3A_559 = arith.constant 0 : i32
      %dma_start3A_560 = arith.constant 0 : i32
      %dma_start3A_561 = tpu.memref_slice %arg6[%dma_start3A_558, %dma_start3A_559, %dma_start3A_560] : memref<4x200x64xf32, #tpu.memory_space<vmem>> -> memref<1x200x64xf32, #tpu.memory_space<vmem>>
      %dma_start3A_562 = tpu.memref_squeeze %dma_start3A_561 : memref<1x200x64xf32, #tpu.memory_space<vmem>> -> memref<200x64xf32, #tpu.memory_space<vmem>>
      %dma_start3A_563 = arith.constant 0 : i32
      %dma_start3A_564 = tpu.memref_slice %arg5[%add3A_557, %dma_start3A_563] : memref<128x200xi32, #tpu.memory_space<vmem>> -> memref<1x200xi32, #tpu.memory_space<vmem>>
      %dma_start3A_565 = tpu.memref_squeeze %dma_start3A_564 : memref<1x200xi32, #tpu.memory_space<vmem>> -> memref<200xi32, #tpu.memory_space<vmem>>
      %dma_start3A_566 = arith.constant 0 : i32
      %dma_start3A_567 = arith.constant 0 : i32
      %dma_start3A_568 = tpu.memref_slice %arg3[%dma_start3A_566, %dma_start3A_567] : memref<1000000x64xf32, #tpu.memory_space<hbm>> -> memref<1000000x64xf32, #tpu.memory_space<hbm>>
      tpu.enqueue_indirect_dma source(%dma_start3A_568 : memref<1000000x64xf32, #tpu.memory_space<hbm>>) target(%dma_start3A_562 : memref<200x64xf32, #tpu.memory_space<vmem>>) offsets(%dma_start3A_565 : memref<200xi32, #tpu.memory_space<vmem>>) semaphore(%arg7 : memref<!tpu.dma_semaphore, #tpu.memory_space<semaphore_mem>>)
      %add3A_569 = arith.constant 1 : i32
      %add3A_570 = arith.addi %add3A_505, %add3A_569 : i32
      %dma_wait3A_571 = arith.constant 1 : i32
      %dma_wait3A_572 = arith.constant 0 : i32
      %dma_wait3A_573 = arith.constant 0 : i32
      %dma_wait3A_574 = tpu.memref_slice %arg6[%dma_wait3A_571, %dma_wait3A_572, %dma_wait3A_573] : memref<4x200x64xf32, #tpu.memory_space<vmem>> -> memref<1x200x64xf32, #tpu.memory_space<vmem>>
      %dma_wait3A_575 = tpu.memref_squeeze %dma_wait3A_574 : memref<1x200x64xf32, #tpu.memory_space<vmem>> -> memref<200x64xf32, #tpu.memory_space<vmem>>
      %dma_wait3A_576 = arith.constant 0 : i32
      %dma_wait3A_577 = tpu.memref_slice %arg5[%add3A_570, %dma_wait3A_576] : memref<128x200xi32, #tpu.memory_space<vmem>> -> memref<1x200xi32, #tpu.memory_space<vmem>>
      %dma_wait3A_578 = tpu.memref_squeeze %dma_wait3A_577 : memref<1x200xi32, #tpu.memory_space<vmem>> -> memref<200xi32, #tpu.memory_space<vmem>>
      %dma_wait3A_579 = arith.constant 0 : i32
      %dma_wait3A_580 = arith.constant 0 : i32
      %dma_wait3A_581 = tpu.memref_slice %arg3[%dma_wait3A_579, %dma_wait3A_580] : memref<1000000x64xf32, #tpu.memory_space<hbm>> -> memref<1000000x64xf32, #tpu.memory_space<hbm>>
      tpu.wait_indirect_dma semaphore(%arg7 : memref<!tpu.dma_semaphore, #tpu.memory_space<semaphore_mem>>) src(%dma_wait3A_581 : memref<1000000x64xf32, #tpu.memory_space<hbm>>) dst(%dma_wait3A_575 : memref<200x64xf32, #tpu.memory_space<vmem>>)
      %add3A_582 = arith.addi %mul3A_2, %add3A_570 : i32
      %dma_start3A_583 = arith.constant 1 : i32
      %dma_start3A_584 = arith.constant 0 : i32
      %dma_start3A_585 = arith.constant 0 : i32
      %dma_start3A_586 = tpu.memref_slice %arg6[%dma_start3A_583, %dma_start3A_584, %dma_start3A_585] : memref<4x200x64xf32, #tpu.memory_space<vmem>> -> memref<1x200x64xf32, #tpu.memory_space<vmem>>
      %dma_start3A_587 = tpu.memref_squeeze %dma_start3A_586 : memref<1x200x64xf32, #tpu.memory_space<vmem>> -> memref<200x64xf32, #tpu.memory_space<vmem>>
      %dma_start3A_588 = arith.constant 0 : i32
      %dma_start3A_589 = arith.constant 0 : i32
      %dma_start3A_590 = tpu.memref_slice %arg4[%add3A_582, %dma_start3A_588, %dma_start3A_589] : memref<4096x200x128xf32, #tpu.memory_space<hbm>> -> memref<1x200x64xf32, #tpu.memory_space<hbm>>
      %dma_start3A_591 = tpu.memref_squeeze %dma_start3A_590 : memref<1x200x64xf32, #tpu.memory_space<hbm>> -> memref<200x64xf32, #tpu.memory_space<hbm>>
      %dma_start3A_592 = arith.constant 0 : i32
      %dma_start3A_593 = arith.constant 0 : i32
      %dma_start3A_594 = tpu.memref_slice %arg4[%add3A_582, %dma_start3A_592, %dma_start3A_593] : memref<4096x200x128xf32, #tpu.memory_space<hbm>> -> memref<1x200x64xf32, #tpu.memory_space<hbm>>
      %dma_start3A_595 = tpu.memref_squeeze %dma_start3A_594 : memref<1x200x64xf32, #tpu.memory_space<hbm>> -> memref<200x64xf32, #tpu.memory_space<hbm>>
      %dma_start3A_596 = arith.constant 0 : i32
      %dma_start3A_597 = arith.constant 0 : i32
      %dma_start3A_598 = tpu.memref_slice %arg6[%dma_start3A_583, %dma_start3A_596, %dma_start3A_597] : memref<4x200x64xf32, #tpu.memory_space<vmem>> -> memref<1x200x64xf32, #tpu.memory_space<vmem>>
      %dma_start3A_599 = tpu.memref_squeeze %dma_start3A_598 : memref<1x200x64xf32, #tpu.memory_space<vmem>> -> memref<200x64xf32, #tpu.memory_space<vmem>>
      tpu.enqueue_dma source(%dma_start3A_599 : memref<200x64xf32, #tpu.memory_space<vmem>>) target(%dma_start3A_595 : memref<200x64xf32, #tpu.memory_space<hbm>>) target_semaphore(%arg8 : memref<!tpu.dma_semaphore, #tpu.memory_space<semaphore_mem>>)
      %sub3A_600 = arith.constant 1 : i32
      %sub3A_601 = arith.subi %add3A_570, %sub3A_600 : i32
      %add3A_602 = arith.addi %mul3A_2, %sub3A_601 : i32
      %dma_wait3A_603 = arith.constant 0 : i32
      %dma_wait3A_604 = arith.constant 0 : i32
      %dma_wait3A_605 = arith.constant 0 : i32
      %dma_wait3A_606 = tpu.memref_slice %arg6[%dma_wait3A_603, %dma_wait3A_604, %dma_wait3A_605] : memref<4x200x64xf32, #tpu.memory_space<vmem>> -> memref<1x200x64xf32, #tpu.memory_space<vmem>>
      %dma_wait3A_607 = tpu.memref_squeeze %dma_wait3A_606 : memref<1x200x64xf32, #tpu.memory_space<vmem>> -> memref<200x64xf32, #tpu.memory_space<vmem>>
      %dma_wait3A_608 = arith.constant 0 : i32
      %dma_wait3A_609 = arith.constant 0 : i32
      %dma_wait3A_610 = tpu.memref_slice %arg4[%add3A_602, %dma_wait3A_608, %dma_wait3A_609] : memref<4096x200x128xf32, #tpu.memory_space<hbm>> -> memref<1x200x64xf32, #tpu.memory_space<hbm>>
      %dma_wait3A_611 = tpu.memref_squeeze %dma_wait3A_610 : memref<1x200x64xf32, #tpu.memory_space<hbm>> -> memref<200x64xf32, #tpu.memory_space<hbm>>
      %dma_wait3A_612 = arith.constant 0 : i32
      %dma_wait3A_613 = arith.constant 0 : i32
      %dma_wait3A_614 = tpu.memref_slice %arg4[%add3A_602, %dma_wait3A_612, %dma_wait3A_613] : memref<4096x200x128xf32, #tpu.memory_space<hbm>> -> memref<1x200x64xf32, #tpu.memory_space<hbm>>
      %dma_wait3A_615 = tpu.memref_squeeze %dma_wait3A_614 : memref<1x200x64xf32, #tpu.memory_space<hbm>> -> memref<200x64xf32, #tpu.memory_space<hbm>>
      %dma_wait3A_616 = arith.constant 0 : i32
      %dma_wait3A_617 = arith.constant 0 : i32
      %dma_wait3A_618 = tpu.memref_slice %arg6[%dma_wait3A_603, %dma_wait3A_616, %dma_wait3A_617] : memref<4x200x64xf32, #tpu.memory_space<vmem>> -> memref<1x200x64xf32, #tpu.memory_space<vmem>>
      %dma_wait3A_619 = tpu.memref_squeeze %dma_wait3A_618 : memref<1x200x64xf32, #tpu.memory_space<vmem>> -> memref<200x64xf32, #tpu.memory_space<vmem>>
      tpu.wait_dma2 semaphore(%arg8 : memref<!tpu.dma_semaphore, #tpu.memory_space<semaphore_mem>>) src(%dma_wait3A_619 : memref<200x64xf32, #tpu.memory_space<vmem>>) dst(%dma_wait3A_615 : memref<200x64xf32, #tpu.memory_space<hbm>>)
      %add3A_620 = arith.constant 3 : i32
      %add3A_621 = arith.addi %add3A_570, %add3A_620 : i32
      %dma_start3A_622 = arith.constant 0 : i32
      %dma_start3A_623 = arith.constant 0 : i32
      %dma_start3A_624 = arith.constant 0 : i32
      %dma_start3A_625 = tpu.memref_slice %arg6[%dma_start3A_622, %dma_start3A_623, %dma_start3A_624] : memref<4x200x64xf32, #tpu.memory_space<vmem>> -> memref<1x200x64xf32, #tpu.memory_space<vmem>>
      %dma_start3A_626 = tpu.memref_squeeze %dma_start3A_625 : memref<1x200x64xf32, #tpu.memory_space<vmem>> -> memref<200x64xf32, #tpu.memory_space<vmem>>
      %dma_start3A_627 = arith.constant 0 : i32
      %dma_start3A_628 = tpu.memref_slice %arg5[%add3A_621, %dma_start3A_627] : memref<128x200xi32, #tpu.memory_space<vmem>> -> memref<1x200xi32, #tpu.memory_space<vmem>>
      %dma_start3A_629 = tpu.memref_squeeze %dma_start3A_628 : memref<1x200xi32, #tpu.memory_space<vmem>> -> memref<200xi32, #tpu.memory_space<vmem>>
      %dma_start3A_630 = arith.constant 0 : i32
      %dma_start3A_631 = arith.constant 0 : i32
      %dma_start3A_632 = tpu.memref_slice %arg3[%dma_start3A_630, %dma_start3A_631] : memref<1000000x64xf32, #tpu.memory_space<hbm>> -> memref<1000000x64xf32, #tpu.memory_space<hbm>>
      tpu.enqueue_indirect_dma source(%dma_start3A_632 : memref<1000000x64xf32, #tpu.memory_space<hbm>>) target(%dma_start3A_626 : memref<200x64xf32, #tpu.memory_space<vmem>>) offsets(%dma_start3A_629 : memref<200xi32, #tpu.memory_space<vmem>>) semaphore(%arg7 : memref<!tpu.dma_semaphore, #tpu.memory_space<semaphore_mem>>)
      %add3A_633 = arith.constant 2 : i32
      %add3A_634 = arith.addi %add3A_505, %add3A_633 : i32
      %dma_wait3A_635 = arith.constant 2 : i32
      %dma_wait3A_636 = arith.constant 0 : i32
      %dma_wait3A_637 = arith.constant 0 : i32
      %dma_wait3A_638 = tpu.memref_slice %arg6[%dma_wait3A_635, %dma_wait3A_636, %dma_wait3A_637] : memref<4x200x64xf32, #tpu.memory_space<vmem>> -> memref<1x200x64xf32, #tpu.memory_space<vmem>>
      %dma_wait3A_639 = tpu.memref_squeeze %dma_wait3A_638 : memref<1x200x64xf32, #tpu.memory_space<vmem>> -> memref<200x64xf32, #tpu.memory_space<vmem>>
      %dma_wait3A_640 = arith.constant 0 : i32
      %dma_wait3A_641 = tpu.memref_slice %arg5[%add3A_634, %dma_wait3A_640] : memref<128x200xi32, #tpu.memory_space<vmem>> -> memref<1x200xi32, #tpu.memory_space<vmem>>
      %dma_wait3A_642 = tpu.memref_squeeze %dma_wait3A_641 : memref<1x200xi32, #tpu.memory_space<vmem>> -> memref<200xi32, #tpu.memory_space<vmem>>
      %dma_wait3A_643 = arith.constant 0 : i32
      %dma_wait3A_644 = arith.constant 0 : i32
      %dma_wait3A_645 = tpu.memref_slice %arg3[%dma_wait3A_643, %dma_wait3A_644] : memref<1000000x64xf32, #tpu.memory_space<hbm>> -> memref<1000000x64xf32, #tpu.memory_space<hbm>>
      tpu.wait_indirect_dma semaphore(%arg7 : memref<!tpu.dma_semaphore, #tpu.memory_space<semaphore_mem>>) src(%dma_wait3A_645 : memref<1000000x64xf32, #tpu.memory_space<hbm>>) dst(%dma_wait3A_639 : memref<200x64xf32, #tpu.memory_space<vmem>>)
      %add3A_646 = arith.addi %mul3A_2, %add3A_634 : i32
      %dma_start3A_647 = arith.constant 2 : i32
      %dma_start3A_648 = arith.constant 0 : i32
      %dma_start3A_649 = arith.constant 0 : i32
      %dma_start3A_650 = tpu.memref_slice %arg6[%dma_start3A_647, %dma_start3A_648, %dma_start3A_649] : memref<4x200x64xf32, #tpu.memory_space<vmem>> -> memref<1x200x64xf32, #tpu.memory_space<vmem>>
      %dma_start3A_651 = tpu.memref_squeeze %dma_start3A_650 : memref<1x200x64xf32, #tpu.memory_space<vmem>> -> memref<200x64xf32, #tpu.memory_space<vmem>>
      %dma_start3A_652 = arith.constant 0 : i32
      %dma_start3A_653 = arith.constant 0 : i32
      %dma_start3A_654 = tpu.memref_slice %arg4[%add3A_646, %dma_start3A_652, %dma_start3A_653] : memref<4096x200x128xf32, #tpu.memory_space<hbm>> -> memref<1x200x64xf32, #tpu.memory_space<hbm>>
      %dma_start3A_655 = tpu.memref_squeeze %dma_start3A_654 : memref<1x200x64xf32, #tpu.memory_space<hbm>> -> memref<200x64xf32, #tpu.memory_space<hbm>>
      %dma_start3A_656 = arith.constant 0 : i32
      %dma_start3A_657 = arith.constant 0 : i32
      %dma_start3A_658 = tpu.memref_slice %arg4[%add3A_646, %dma_start3A_656, %dma_start3A_657] : memref<4096x200x128xf32, #tpu.memory_space<hbm>> -> memref<1x200x64xf32, #tpu.memory_space<hbm>>
      %dma_start3A_659 = tpu.memref_squeeze %dma_start3A_658 : memref<1x200x64xf32, #tpu.memory_space<hbm>> -> memref<200x64xf32, #tpu.memory_space<hbm>>
      %dma_start3A_660 = arith.constant 0 : i32
      %dma_start3A_661 = arith.constant 0 : i32
      %dma_start3A_662 = tpu.memref_slice %arg6[%dma_start3A_647, %dma_start3A_660, %dma_start3A_661] : memref<4x200x64xf32, #tpu.memory_space<vmem>> -> memref<1x200x64xf32, #tpu.memory_space<vmem>>
      %dma_start3A_663 = tpu.memref_squeeze %dma_start3A_662 : memref<1x200x64xf32, #tpu.memory_space<vmem>> -> memref<200x64xf32, #tpu.memory_space<vmem>>
      tpu.enqueue_dma source(%dma_start3A_663 : memref<200x64xf32, #tpu.memory_space<vmem>>) target(%dma_start3A_659 : memref<200x64xf32, #tpu.memory_space<hbm>>) target_semaphore(%arg8 : memref<!tpu.dma_semaphore, #tpu.memory_space<semaphore_mem>>)
      %sub3A_664 = arith.constant 1 : i32
      %sub3A_665 = arith.subi %add3A_634, %sub3A_664 : i32
      %add3A_666 = arith.addi %mul3A_2, %sub3A_665 : i32
      %dma_wait3A_667 = arith.constant 1 : i32
      %dma_wait3A_668 = arith.constant 0 : i32
      %dma_wait3A_669 = arith.constant 0 : i32
      %dma_wait3A_670 = tpu.memref_slice %arg6[%dma_wait3A_667, %dma_wait3A_668, %dma_wait3A_669] : memref<4x200x64xf32, #tpu.memory_space<vmem>> -> memref<1x200x64xf32, #tpu.memory_space<vmem>>
      %dma_wait3A_671 = tpu.memref_squeeze %dma_wait3A_670 : memref<1x200x64xf32, #tpu.memory_space<vmem>> -> memref<200x64xf32, #tpu.memory_space<vmem>>
      %dma_wait3A_672 = arith.constant 0 : i32
      %dma_wait3A_673 = arith.constant 0 : i32
      %dma_wait3A_674 = tpu.memref_slice %arg4[%add3A_666, %dma_wait3A_672, %dma_wait3A_673] : memref<4096x200x128xf32, #tpu.memory_space<hbm>> -> memref<1x200x64xf32, #tpu.memory_space<hbm>>
      %dma_wait3A_675 = tpu.memref_squeeze %dma_wait3A_674 : memref<1x200x64xf32, #tpu.memory_space<hbm>> -> memref<200x64xf32, #tpu.memory_space<hbm>>
      %dma_wait3A_676 = arith.constant 0 : i32
      %dma_wait3A_677 = arith.constant 0 : i32
      %dma_wait3A_678 = tpu.memref_slice %arg4[%add3A_666, %dma_wait3A_676, %dma_wait3A_677] : memref<4096x200x128xf32, #tpu.memory_space<hbm>> -> memref<1x200x64xf32, #tpu.memory_space<hbm>>
      %dma_wait3A_679 = tpu.memref_squeeze %dma_wait3A_678 : memref<1x200x64xf32, #tpu.memory_space<hbm>> -> memref<200x64xf32, #tpu.memory_space<hbm>>
      %dma_wait3A_680 = arith.constant 0 : i32
      %dma_wait3A_681 = arith.constant 0 : i32
      %dma_wait3A_682 = tpu.memref_slice %arg6[%dma_wait3A_667, %dma_wait3A_680, %dma_wait3A_681] : memref<4x200x64xf32, #tpu.memory_space<vmem>> -> memref<1x200x64xf32, #tpu.memory_space<vmem>>
      %dma_wait3A_683 = tpu.memref_squeeze %dma_wait3A_682 : memref<1x200x64xf32, #tpu.memory_space<vmem>> -> memref<200x64xf32, #tpu.memory_space<vmem>>
      tpu.wait_dma2 semaphore(%arg8 : memref<!tpu.dma_semaphore, #tpu.memory_space<semaphore_mem>>) src(%dma_wait3A_683 : memref<200x64xf32, #tpu.memory_space<vmem>>) dst(%dma_wait3A_679 : memref<200x64xf32, #tpu.memory_space<hbm>>)
      %add3A_684 = arith.constant 3 : i32
      %add3A_685 = arith.addi %add3A_634, %add3A_684 : i32
      %dma_start3A_686 = arith.constant 1 : i32
      %dma_start3A_687 = arith.constant 0 : i32
      %dma_start3A_688 = arith.constant 0 : i32
      %dma_start3A_689 = tpu.memref_slice %arg6[%dma_start3A_686, %dma_start3A_687, %dma_start3A_688] : memref<4x200x64xf32, #tpu.memory_space<vmem>> -> memref<1x200x64xf32, #tpu.memory_space<vmem>>
      %dma_start3A_690 = tpu.memref_squeeze %dma_start3A_689 : memref<1x200x64xf32, #tpu.memory_space<vmem>> -> memref<200x64xf32, #tpu.memory_space<vmem>>
      %dma_start3A_691 = arith.constant 0 : i32
      %dma_start3A_692 = tpu.memref_slice %arg5[%add3A_685, %dma_start3A_691] : memref<128x200xi32, #tpu.memory_space<vmem>> -> memref<1x200xi32, #tpu.memory_space<vmem>>
      %dma_start3A_693 = tpu.memref_squeeze %dma_start3A_692 : memref<1x200xi32, #tpu.memory_space<vmem>> -> memref<200xi32, #tpu.memory_space<vmem>>
      %dma_start3A_694 = arith.constant 0 : i32
      %dma_start3A_695 = arith.constant 0 : i32
      %dma_start3A_696 = tpu.memref_slice %arg3[%dma_start3A_694, %dma_start3A_695] : memref<1000000x64xf32, #tpu.memory_space<hbm>> -> memref<1000000x64xf32, #tpu.memory_space<hbm>>
      tpu.enqueue_indirect_dma source(%dma_start3A_696 : memref<1000000x64xf32, #tpu.memory_space<hbm>>) target(%dma_start3A_690 : memref<200x64xf32, #tpu.memory_space<vmem>>) offsets(%dma_start3A_693 : memref<200xi32, #tpu.memory_space<vmem>>) semaphore(%arg7 : memref<!tpu.dma_semaphore, #tpu.memory_space<semaphore_mem>>)
      %add3A_697 = arith.constant 3 : i32
      %add3A_698 = arith.addi %add3A_505, %add3A_697 : i32
      %dma_wait3A_699 = arith.constant 3 : i32
      %dma_wait3A_700 = arith.constant 0 : i32
      %dma_wait3A_701 = arith.constant 0 : i32
      %dma_wait3A_702 = tpu.memref_slice %arg6[%dma_wait3A_699, %dma_wait3A_700, %dma_wait3A_701] : memref<4x200x64xf32, #tpu.memory_space<vmem>> -> memref<1x200x64xf32, #tpu.memory_space<vmem>>
      %dma_wait3A_703 = tpu.memref_squeeze %dma_wait3A_702 : memref<1x200x64xf32, #tpu.memory_space<vmem>> -> memref<200x64xf32, #tpu.memory_space<vmem>>
      %dma_wait3A_704 = arith.constant 0 : i32
      %dma_wait3A_705 = tpu.memref_slice %arg5[%add3A_698, %dma_wait3A_704] : memref<128x200xi32, #tpu.memory_space<vmem>> -> memref<1x200xi32, #tpu.memory_space<vmem>>
      %dma_wait3A_706 = tpu.memref_squeeze %dma_wait3A_705 : memref<1x200xi32, #tpu.memory_space<vmem>> -> memref<200xi32, #tpu.memory_space<vmem>>
      %dma_wait3A_707 = arith.constant 0 : i32
      %dma_wait3A_708 = arith.constant 0 : i32
      %dma_wait3A_709 = tpu.memref_slice %arg3[%dma_wait3A_707, %dma_wait3A_708] : memref<1000000x64xf32, #tpu.memory_space<hbm>> -> memref<1000000x64xf32, #tpu.memory_space<hbm>>
      tpu.wait_indirect_dma semaphore(%arg7 : memref<!tpu.dma_semaphore, #tpu.memory_space<semaphore_mem>>) src(%dma_wait3A_709 : memref<1000000x64xf32, #tpu.memory_space<hbm>>) dst(%dma_wait3A_703 : memref<200x64xf32, #tpu.memory_space<vmem>>)
      %add3A_710 = arith.addi %mul3A_2, %add3A_698 : i32
      %dma_start3A_711 = arith.constant 3 : i32
      %dma_start3A_712 = arith.constant 0 : i32
      %dma_start3A_713 = arith.constant 0 : i32
      %dma_start3A_714 = tpu.memref_slice %arg6[%dma_start3A_711, %dma_start3A_712, %dma_start3A_713] : memref<4x200x64xf32, #tpu.memory_space<vmem>> -> memref<1x200x64xf32, #tpu.memory_space<vmem>>
      %dma_start3A_715 = tpu.memref_squeeze %dma_start3A_714 : memref<1x200x64xf32, #tpu.memory_space<vmem>> -> memref<200x64xf32, #tpu.memory_space<vmem>>
      %dma_start3A_716 = arith.constant 0 : i32
      %dma_start3A_717 = arith.constant 0 : i32
      %dma_start3A_718 = tpu.memref_slice %arg4[%add3A_710, %dma_start3A_716, %dma_start3A_717] : memref<4096x200x128xf32, #tpu.memory_space<hbm>> -> memref<1x200x64xf32, #tpu.memory_space<hbm>>
      %dma_start3A_719 = tpu.memref_squeeze %dma_start3A_718 : memref<1x200x64xf32, #tpu.memory_space<hbm>> -> memref<200x64xf32, #tpu.memory_space<hbm>>
      %dma_start3A_720 = arith.constant 0 : i32
      %dma_start3A_721 = arith.constant 0 : i32
      %dma_start3A_722 = tpu.memref_slice %arg4[%add3A_710, %dma_start3A_720, %dma_start3A_721] : memref<4096x200x128xf32, #tpu.memory_space<hbm>> -> memref<1x200x64xf32, #tpu.memory_space<hbm>>
      %dma_start3A_723 = tpu.memref_squeeze %dma_start3A_722 : memref<1x200x64xf32, #tpu.memory_space<hbm>> -> memref<200x64xf32, #tpu.memory_space<hbm>>
      %dma_start3A_724 = arith.constant 0 : i32
      %dma_start3A_725 = arith.constant 0 : i32
      %dma_start3A_726 = tpu.memref_slice %arg6[%dma_start3A_711, %dma_start3A_724, %dma_start3A_725] : memref<4x200x64xf32, #tpu.memory_space<vmem>> -> memref<1x200x64xf32, #tpu.memory_space<vmem>>
      %dma_start3A_727 = tpu.memref_squeeze %dma_start3A_726 : memref<1x200x64xf32, #tpu.memory_space<vmem>> -> memref<200x64xf32, #tpu.memory_space<vmem>>
      tpu.enqueue_dma source(%dma_start3A_727 : memref<200x64xf32, #tpu.memory_space<vmem>>) target(%dma_start3A_723 : memref<200x64xf32, #tpu.memory_space<hbm>>) target_semaphore(%arg8 : memref<!tpu.dma_semaphore, #tpu.memory_space<semaphore_mem>>)
      %sub3A_728 = arith.constant 1 : i32
      %sub3A_729 = arith.subi %add3A_698, %sub3A_728 : i32
      %add3A_730 = arith.addi %mul3A_2, %sub3A_729 : i32
      %dma_wait3A_731 = arith.constant 2 : i32
      %dma_wait3A_732 = arith.constant 0 : i32
      %dma_wait3A_733 = arith.constant 0 : i32
      %dma_wait3A_734 = tpu.memref_slice %arg6[%dma_wait3A_731, %dma_wait3A_732, %dma_wait3A_733] : memref<4x200x64xf32, #tpu.memory_space<vmem>> -> memref<1x200x64xf32, #tpu.memory_space<vmem>>
      %dma_wait3A_735 = tpu.memref_squeeze %dma_wait3A_734 : memref<1x200x64xf32, #tpu.memory_space<vmem>> -> memref<200x64xf32, #tpu.memory_space<vmem>>
      %dma_wait3A_736 = arith.constant 0 : i32
      %dma_wait3A_737 = arith.constant 0 : i32
      %dma_wait3A_738 = tpu.memref_slice %arg4[%add3A_730, %dma_wait3A_736, %dma_wait3A_737] : memref<4096x200x128xf32, #tpu.memory_space<hbm>> -> memref<1x200x64xf32, #tpu.memory_space<hbm>>
      %dma_wait3A_739 = tpu.memref_squeeze %dma_wait3A_738 : memref<1x200x64xf32, #tpu.memory_space<hbm>> -> memref<200x64xf32, #tpu.memory_space<hbm>>
      %dma_wait3A_740 = arith.constant 0 : i32
      %dma_wait3A_741 = arith.constant 0 : i32
      %dma_wait3A_742 = tpu.memref_slice %arg4[%add3A_730, %dma_wait3A_740, %dma_wait3A_741] : memref<4096x200x128xf32, #tpu.memory_space<hbm>> -> memref<1x200x64xf32, #tpu.memory_space<hbm>>
      %dma_wait3A_743 = tpu.memref_squeeze %dma_wait3A_742 : memref<1x200x64xf32, #tpu.memory_space<hbm>> -> memref<200x64xf32, #tpu.memory_space<hbm>>
      %dma_wait3A_744 = arith.constant 0 : i32
      %dma_wait3A_745 = arith.constant 0 : i32
      %dma_wait3A_746 = tpu.memref_slice %arg6[%dma_wait3A_731, %dma_wait3A_744, %dma_wait3A_745] : memref<4x200x64xf32, #tpu.memory_space<vmem>> -> memref<1x200x64xf32, #tpu.memory_space<vmem>>
      %dma_wait3A_747 = tpu.memref_squeeze %dma_wait3A_746 : memref<1x200x64xf32, #tpu.memory_space<vmem>> -> memref<200x64xf32, #tpu.memory_space<vmem>>
      tpu.wait_dma2 semaphore(%arg8 : memref<!tpu.dma_semaphore, #tpu.memory_space<semaphore_mem>>) src(%dma_wait3A_747 : memref<200x64xf32, #tpu.memory_space<vmem>>) dst(%dma_wait3A_743 : memref<200x64xf32, #tpu.memory_space<hbm>>)
      %add3A_748 = arith.constant 3 : i32
      %add3A_749 = arith.addi %add3A_698, %add3A_748 : i32
      %dma_start3A_750 = arith.constant 2 : i32
      %dma_start3A_751 = arith.constant 0 : i32
      %dma_start3A_752 = arith.constant 0 : i32
      %dma_start3A_753 = tpu.memref_slice %arg6[%dma_start3A_750, %dma_start3A_751, %dma_start3A_752] : memref<4x200x64xf32, #tpu.memory_space<vmem>> -> memref<1x200x64xf32, #tpu.memory_space<vmem>>
      %dma_start3A_754 = tpu.memref_squeeze %dma_start3A_753 : memref<1x200x64xf32, #tpu.memory_space<vmem>> -> memref<200x64xf32, #tpu.memory_space<vmem>>
      %dma_start3A_755 = arith.constant 0 : i32
      %dma_start3A_756 = tpu.memref_slice %arg5[%add3A_749, %dma_start3A_755] : memref<128x200xi32, #tpu.memory_space<vmem>> -> memref<1x200xi32, #tpu.memory_space<vmem>>
      %dma_start3A_757 = tpu.memref_squeeze %dma_start3A_756 : memref<1x200xi32, #tpu.memory_space<vmem>> -> memref<200xi32, #tpu.memory_space<vmem>>
      %dma_start3A_758 = arith.constant 0 : i32
      %dma_start3A_759 = arith.constant 0 : i32
      %dma_start3A_760 = tpu.memref_slice %arg3[%dma_start3A_758, %dma_start3A_759] : memref<1000000x64xf32, #tpu.memory_space<hbm>> -> memref<1000000x64xf32, #tpu.memory_space<hbm>>
      tpu.enqueue_indirect_dma source(%dma_start3A_760 : memref<1000000x64xf32, #tpu.memory_space<hbm>>) target(%dma_start3A_754 : memref<200x64xf32, #tpu.memory_space<vmem>>) offsets(%dma_start3A_757 : memref<200xi32, #tpu.memory_space<vmem>>) semaphore(%arg7 : memref<!tpu.dma_semaphore, #tpu.memory_space<semaphore_mem>>)
    }
    %scan3A_269 = arith.constant 30 : i32
    %dma_wait3A_270 = arith.constant 124 : i32
    %dma_wait3A_271 = arith.constant 0 : i32
    %dma_wait3A_272 = arith.constant 0 : i32
    %dma_wait3A_273 = arith.constant 0 : i32
    %dma_wait3A_274 = tpu.memref_slice %arg6[%dma_wait3A_271, %dma_wait3A_272, %dma_wait3A_273] : memref<4x200x64xf32, #tpu.memory_space<vmem>> -> memref<1x200x64xf32, #tpu.memory_space<vmem>>
    %dma_wait3A_275 = tpu.memref_squeeze %dma_wait3A_274 : memref<1x200x64xf32, #tpu.memory_space<vmem>> -> memref<200x64xf32, #tpu.memory_space<vmem>>
    %dma_wait3A_276 = arith.constant 0 : i32
    %dma_wait3A_277 = tpu.memref_slice %arg5[%dma_wait3A_270, %dma_wait3A_276] : memref<128x200xi32, #tpu.memory_space<vmem>> -> memref<1x200xi32, #tpu.memory_space<vmem>>
    %dma_wait3A_278 = tpu.memref_squeeze %dma_wait3A_277 : memref<1x200xi32, #tpu.memory_space<vmem>> -> memref<200xi32, #tpu.memory_space<vmem>>
    %dma_wait3A_279 = arith.constant 0 : i32
    %dma_wait3A_280 = arith.constant 0 : i32
    %dma_wait3A_281 = tpu.memref_slice %arg3[%dma_wait3A_279, %dma_wait3A_280] : memref<1000000x64xf32, #tpu.memory_space<hbm>> -> memref<1000000x64xf32, #tpu.memory_space<hbm>>
    tpu.wait_indirect_dma semaphore(%arg7 : memref<!tpu.dma_semaphore, #tpu.memory_space<semaphore_mem>>) src(%dma_wait3A_281 : memref<1000000x64xf32, #tpu.memory_space<hbm>>) dst(%dma_wait3A_275 : memref<200x64xf32, #tpu.memory_space<vmem>>)
    %add3A_282 = arith.constant 124 : i32
    %add3A_283 = arith.addi %mul3A_2, %add3A_282 : i32
    %dma_start3A_284 = arith.constant 0 : i32
    %dma_start3A_285 = arith.constant 0 : i32
    %dma_start3A_286 = arith.constant 0 : i32
    %dma_start3A_287 = tpu.memref_slice %arg6[%dma_start3A_284, %dma_start3A_285, %dma_start3A_286] : memref<4x200x64xf32, #tpu.memory_space<vmem>> -> memref<1x200x64xf32, #tpu.memory_space<vmem>>
    %dma_start3A_288 = tpu.memref_squeeze %dma_start3A_287 : memref<1x200x64xf32, #tpu.memory_space<vmem>> -> memref<200x64xf32, #tpu.memory_space<vmem>>
    %dma_start3A_289 = arith.constant 0 : i32
    %dma_start3A_290 = arith.constant 0 : i32
    %dma_start3A_291 = tpu.memref_slice %arg4[%add3A_283, %dma_start3A_289, %dma_start3A_290] : memref<4096x200x128xf32, #tpu.memory_space<hbm>> -> memref<1x200x64xf32, #tpu.memory_space<hbm>>
    %dma_start3A_292 = tpu.memref_squeeze %dma_start3A_291 : memref<1x200x64xf32, #tpu.memory_space<hbm>> -> memref<200x64xf32, #tpu.memory_space<hbm>>
    %dma_start3A_293 = arith.constant 0 : i32
    %dma_start3A_294 = arith.constant 0 : i32
    %dma_start3A_295 = tpu.memref_slice %arg4[%add3A_283, %dma_start3A_293, %dma_start3A_294] : memref<4096x200x128xf32, #tpu.memory_space<hbm>> -> memref<1x200x64xf32, #tpu.memory_space<hbm>>
    %dma_start3A_296 = tpu.memref_squeeze %dma_start3A_295 : memref<1x200x64xf32, #tpu.memory_space<hbm>> -> memref<200x64xf32, #tpu.memory_space<hbm>>
    %dma_start3A_297 = arith.constant 0 : i32
    %dma_start3A_298 = arith.constant 0 : i32
    %dma_start3A_299 = tpu.memref_slice %arg6[%dma_start3A_284, %dma_start3A_297, %dma_start3A_298] : memref<4x200x64xf32, #tpu.memory_space<vmem>> -> memref<1x200x64xf32, #tpu.memory_space<vmem>>
    %dma_start3A_300 = tpu.memref_squeeze %dma_start3A_299 : memref<1x200x64xf32, #tpu.memory_space<vmem>> -> memref<200x64xf32, #tpu.memory_space<vmem>>
    tpu.enqueue_dma source(%dma_start3A_300 : memref<200x64xf32, #tpu.memory_space<vmem>>) target(%dma_start3A_296 : memref<200x64xf32, #tpu.memory_space<hbm>>) target_semaphore(%arg8 : memref<!tpu.dma_semaphore, #tpu.memory_space<semaphore_mem>>)
    %add3A_301 = arith.constant 123 : i32
    %add3A_302 = arith.addi %mul3A_2, %add3A_301 : i32
    %dma_wait3A_303 = arith.constant 3 : i32
    %dma_wait3A_304 = arith.constant 0 : i32
    %dma_wait3A_305 = arith.constant 0 : i32
    %dma_wait3A_306 = tpu.memref_slice %arg6[%dma_wait3A_303, %dma_wait3A_304, %dma_wait3A_305] : memref<4x200x64xf32, #tpu.memory_space<vmem>> -> memref<1x200x64xf32, #tpu.memory_space<vmem>>
    %dma_wait3A_307 = tpu.memref_squeeze %dma_wait3A_306 : memref<1x200x64xf32, #tpu.memory_space<vmem>> -> memref<200x64xf32, #tpu.memory_space<vmem>>
    %dma_wait3A_308 = arith.constant 0 : i32
    %dma_wait3A_309 = arith.constant 0 : i32
    %dma_wait3A_310 = tpu.memref_slice %arg4[%add3A_302, %dma_wait3A_308, %dma_wait3A_309] : memref<4096x200x128xf32, #tpu.memory_space<hbm>> -> memref<1x200x64xf32, #tpu.memory_space<hbm>>
    %dma_wait3A_311 = tpu.memref_squeeze %dma_wait3A_310 : memref<1x200x64xf32, #tpu.memory_space<hbm>> -> memref<200x64xf32, #tpu.memory_space<hbm>>
    %dma_wait3A_312 = arith.constant 0 : i32
    %dma_wait3A_313 = arith.constant 0 : i32
    %dma_wait3A_314 = tpu.memref_slice %arg4[%add3A_302, %dma_wait3A_312, %dma_wait3A_313] : memref<4096x200x128xf32, #tpu.memory_space<hbm>> -> memref<1x200x64xf32, #tpu.memory_space<hbm>>
    %dma_wait3A_315 = tpu.memref_squeeze %dma_wait3A_314 : memref<1x200x64xf32, #tpu.memory_space<hbm>> -> memref<200x64xf32, #tpu.memory_space<hbm>>
    %dma_wait3A_316 = arith.constant 0 : i32
    %dma_wait3A_317 = arith.constant 0 : i32
    %dma_wait3A_318 = tpu.memref_slice %arg6[%dma_wait3A_303, %dma_wait3A_316, %dma_wait3A_317] : memref<4x200x64xf32, #tpu.memory_space<vmem>> -> memref<1x200x64xf32, #tpu.memory_space<vmem>>
    %dma_wait3A_319 = tpu.memref_squeeze %dma_wait3A_318 : memref<1x200x64xf32, #tpu.memory_space<vmem>> -> memref<200x64xf32, #tpu.memory_space<vmem>>
    tpu.wait_dma2 semaphore(%arg8 : memref<!tpu.dma_semaphore, #tpu.memory_space<semaphore_mem>>) src(%dma_wait3A_319 : memref<200x64xf32, #tpu.memory_space<vmem>>) dst(%dma_wait3A_315 : memref<200x64xf32, #tpu.memory_space<hbm>>)
    %dma_start3A_320 = arith.constant 127 : i32
    %dma_start3A_321 = arith.constant 3 : i32
    %dma_start3A_322 = arith.constant 0 : i32
    %dma_start3A_323 = arith.constant 0 : i32
    %dma_start3A_324 = tpu.memref_slice %arg6[%dma_start3A_321, %dma_start3A_322, %dma_start3A_323] : memref<4x200x64xf32, #tpu.memory_space<vmem>> -> memref<1x200x64xf32, #tpu.memory_space<vmem>>
    %dma_start3A_325 = tpu.memref_squeeze %dma_start3A_324 : memref<1x200x64xf32, #tpu.memory_space<vmem>> -> memref<200x64xf32, #tpu.memory_space<vmem>>
    %dma_start3A_326 = arith.constant 0 : i32
    %dma_start3A_327 = tpu.memref_slice %arg5[%dma_start3A_320, %dma_start3A_326] : memref<128x200xi32, #tpu.memory_space<vmem>> -> memref<1x200xi32, #tpu.memory_space<vmem>>
    %dma_start3A_328 = tpu.memref_squeeze %dma_start3A_327 : memref<1x200xi32, #tpu.memory_space<vmem>> -> memref<200xi32, #tpu.memory_space<vmem>>
    %dma_start3A_329 = arith.constant 0 : i32
    %dma_start3A_330 = arith.constant 0 : i32
    %dma_start3A_331 = tpu.memref_slice %arg3[%dma_start3A_329, %dma_start3A_330] : memref<1000000x64xf32, #tpu.memory_space<hbm>> -> memref<1000000x64xf32, #tpu.memory_space<hbm>>
    tpu.enqueue_indirect_dma source(%dma_start3A_331 : memref<1000000x64xf32, #tpu.memory_space<hbm>>) target(%dma_start3A_325 : memref<200x64xf32, #tpu.memory_space<vmem>>) offsets(%dma_start3A_328 : memref<200xi32, #tpu.memory_space<vmem>>) semaphore(%arg7 : memref<!tpu.dma_semaphore, #tpu.memory_space<semaphore_mem>>)
    %dma_wait3A_332 = arith.constant 125 : i32
    %dma_wait3A_333 = arith.constant 1 : i32
    %dma_wait3A_334 = arith.constant 0 : i32
    %dma_wait3A_335 = arith.constant 0 : i32
    %dma_wait3A_336 = tpu.memref_slice %arg6[%dma_wait3A_333, %dma_wait3A_334, %dma_wait3A_335] : memref<4x200x64xf32, #tpu.memory_space<vmem>> -> memref<1x200x64xf32, #tpu.memory_space<vmem>>
    %dma_wait3A_337 = tpu.memref_squeeze %dma_wait3A_336 : memref<1x200x64xf32, #tpu.memory_space<vmem>> -> memref<200x64xf32, #tpu.memory_space<vmem>>
    %dma_wait3A_338 = arith.constant 0 : i32
    %dma_wait3A_339 = tpu.memref_slice %arg5[%dma_wait3A_332, %dma_wait3A_338] : memref<128x200xi32, #tpu.memory_space<vmem>> -> memref<1x200xi32, #tpu.memory_space<vmem>>
    %dma_wait3A_340 = tpu.memref_squeeze %dma_wait3A_339 : memref<1x200xi32, #tpu.memory_space<vmem>> -> memref<200xi32, #tpu.memory_space<vmem>>
    %dma_wait3A_341 = arith.constant 0 : i32
    %dma_wait3A_342 = arith.constant 0 : i32
    %dma_wait3A_343 = tpu.memref_slice %arg3[%dma_wait3A_341, %dma_wait3A_342] : memref<1000000x64xf32, #tpu.memory_space<hbm>> -> memref<1000000x64xf32, #tpu.memory_space<hbm>>
    tpu.wait_indirect_dma semaphore(%arg7 : memref<!tpu.dma_semaphore, #tpu.memory_space<semaphore_mem>>) src(%dma_wait3A_343 : memref<1000000x64xf32, #tpu.memory_space<hbm>>) dst(%dma_wait3A_337 : memref<200x64xf32, #tpu.memory_space<vmem>>)
    %add3A_344 = arith.constant 125 : i32
    %add3A_345 = arith.addi %mul3A_2, %add3A_344 : i32
    %dma_start3A_346 = arith.constant 1 : i32
    %dma_start3A_347 = arith.constant 0 : i32
    %dma_start3A_348 = arith.constant 0 : i32
    %dma_start3A_349 = tpu.memref_slice %arg6[%dma_start3A_346, %dma_start3A_347, %dma_start3A_348] : memref<4x200x64xf32, #tpu.memory_space<vmem>> -> memref<1x200x64xf32, #tpu.memory_space<vmem>>
    %dma_start3A_350 = tpu.memref_squeeze %dma_start3A_349 : memref<1x200x64xf32, #tpu.memory_space<vmem>> -> memref<200x64xf32, #tpu.memory_space<vmem>>
    %dma_start3A_351 = arith.constant 0 : i32
    %dma_start3A_352 = arith.constant 0 : i32
    %dma_start3A_353 = tpu.memref_slice %arg4[%add3A_345, %dma_start3A_351, %dma_start3A_352] : memref<4096x200x128xf32, #tpu.memory_space<hbm>> -> memref<1x200x64xf32, #tpu.memory_space<hbm>>
    %dma_start3A_354 = tpu.memref_squeeze %dma_start3A_353 : memref<1x200x64xf32, #tpu.memory_space<hbm>> -> memref<200x64xf32, #tpu.memory_space<hbm>>
    %dma_start3A_355 = arith.constant 0 : i32
    %dma_start3A_356 = arith.constant 0 : i32
    %dma_start3A_357 = tpu.memref_slice %arg4[%add3A_345, %dma_start3A_355, %dma_start3A_356] : memref<4096x200x128xf32, #tpu.memory_space<hbm>> -> memref<1x200x64xf32, #tpu.memory_space<hbm>>
    %dma_start3A_358 = tpu.memref_squeeze %dma_start3A_357 : memref<1x200x64xf32, #tpu.memory_space<hbm>> -> memref<200x64xf32, #tpu.memory_space<hbm>>
    %dma_start3A_359 = arith.constant 0 : i32
    %dma_start3A_360 = arith.constant 0 : i32
    %dma_start3A_361 = tpu.memref_slice %arg6[%dma_start3A_346, %dma_start3A_359, %dma_start3A_360] : memref<4x200x64xf32, #tpu.memory_space<vmem>> -> memref<1x200x64xf32, #tpu.memory_space<vmem>>
    %dma_start3A_362 = tpu.memref_squeeze %dma_start3A_361 : memref<1x200x64xf32, #tpu.memory_space<vmem>> -> memref<200x64xf32, #tpu.memory_space<vmem>>
    tpu.enqueue_dma source(%dma_start3A_362 : memref<200x64xf32, #tpu.memory_space<vmem>>) target(%dma_start3A_358 : memref<200x64xf32, #tpu.memory_space<hbm>>) target_semaphore(%arg8 : memref<!tpu.dma_semaphore, #tpu.memory_space<semaphore_mem>>)
    %add3A_363 = arith.constant 124 : i32
    %add3A_364 = arith.addi %mul3A_2, %add3A_363 : i32
    %dma_wait3A_365 = arith.constant 0 : i32
    %dma_wait3A_366 = arith.constant 0 : i32
    %dma_wait3A_367 = arith.constant 0 : i32
    %dma_wait3A_368 = tpu.memref_slice %arg6[%dma_wait3A_365, %dma_wait3A_366, %dma_wait3A_367] : memref<4x200x64xf32, #tpu.memory_space<vmem>> -> memref<1x200x64xf32, #tpu.memory_space<vmem>>
    %dma_wait3A_369 = tpu.memref_squeeze %dma_wait3A_368 : memref<1x200x64xf32, #tpu.memory_space<vmem>> -> memref<200x64xf32, #tpu.memory_space<vmem>>
    %dma_wait3A_370 = arith.constant 0 : i32
    %dma_wait3A_371 = arith.constant 0 : i32
    %dma_wait3A_372 = tpu.memref_slice %arg4[%add3A_364, %dma_wait3A_370, %dma_wait3A_371] : memref<4096x200x128xf32, #tpu.memory_space<hbm>> -> memref<1x200x64xf32, #tpu.memory_space<hbm>>
    %dma_wait3A_373 = tpu.memref_squeeze %dma_wait3A_372 : memref<1x200x64xf32, #tpu.memory_space<hbm>> -> memref<200x64xf32, #tpu.memory_space<hbm>>
    %dma_wait3A_374 = arith.constant 0 : i32
    %dma_wait3A_375 = arith.constant 0 : i32
    %dma_wait3A_376 = tpu.memref_slice %arg4[%add3A_364, %dma_wait3A_374, %dma_wait3A_375] : memref<4096x200x128xf32, #tpu.memory_space<hbm>> -> memref<1x200x64xf32, #tpu.memory_space<hbm>>
    %dma_wait3A_377 = tpu.memref_squeeze %dma_wait3A_376 : memref<1x200x64xf32, #tpu.memory_space<hbm>> -> memref<200x64xf32, #tpu.memory_space<hbm>>
    %dma_wait3A_378 = arith.constant 0 : i32
    %dma_wait3A_379 = arith.constant 0 : i32
    %dma_wait3A_380 = tpu.memref_slice %arg6[%dma_wait3A_365, %dma_wait3A_378, %dma_wait3A_379] : memref<4x200x64xf32, #tpu.memory_space<vmem>> -> memref<1x200x64xf32, #tpu.memory_space<vmem>>
    %dma_wait3A_381 = tpu.memref_squeeze %dma_wait3A_380 : memref<1x200x64xf32, #tpu.memory_space<vmem>> -> memref<200x64xf32, #tpu.memory_space<vmem>>
    tpu.wait_dma2 semaphore(%arg8 : memref<!tpu.dma_semaphore, #tpu.memory_space<semaphore_mem>>) src(%dma_wait3A_381 : memref<200x64xf32, #tpu.memory_space<vmem>>) dst(%dma_wait3A_377 : memref<200x64xf32, #tpu.memory_space<hbm>>)
    %dma_wait3A_382 = arith.constant 126 : i32
    %dma_wait3A_383 = arith.constant 2 : i32
    %dma_wait3A_384 = arith.constant 0 : i32
    %dma_wait3A_385 = arith.constant 0 : i32
    %dma_wait3A_386 = tpu.memref_slice %arg6[%dma_wait3A_383, %dma_wait3A_384, %dma_wait3A_385] : memref<4x200x64xf32, #tpu.memory_space<vmem>> -> memref<1x200x64xf32, #tpu.memory_space<vmem>>
    %dma_wait3A_387 = tpu.memref_squeeze %dma_wait3A_386 : memref<1x200x64xf32, #tpu.memory_space<vmem>> -> memref<200x64xf32, #tpu.memory_space<vmem>>
    %dma_wait3A_388 = arith.constant 0 : i32
    %dma_wait3A_389 = tpu.memref_slice %arg5[%dma_wait3A_382, %dma_wait3A_388] : memref<128x200xi32, #tpu.memory_space<vmem>> -> memref<1x200xi32, #tpu.memory_space<vmem>>
    %dma_wait3A_390 = tpu.memref_squeeze %dma_wait3A_389 : memref<1x200xi32, #tpu.memory_space<vmem>> -> memref<200xi32, #tpu.memory_space<vmem>>
    %dma_wait3A_391 = arith.constant 0 : i32
    %dma_wait3A_392 = arith.constant 0 : i32
    %dma_wait3A_393 = tpu.memref_slice %arg3[%dma_wait3A_391, %dma_wait3A_392] : memref<1000000x64xf32, #tpu.memory_space<hbm>> -> memref<1000000x64xf32, #tpu.memory_space<hbm>>
    tpu.wait_indirect_dma semaphore(%arg7 : memref<!tpu.dma_semaphore, #tpu.memory_space<semaphore_mem>>) src(%dma_wait3A_393 : memref<1000000x64xf32, #tpu.memory_space<hbm>>) dst(%dma_wait3A_387 : memref<200x64xf32, #tpu.memory_space<vmem>>)
    %add3A_394 = arith.constant 126 : i32
    %add3A_395 = arith.addi %mul3A_2, %add3A_394 : i32
    %dma_start3A_396 = arith.constant 2 : i32
    %dma_start3A_397 = arith.constant 0 : i32
    %dma_start3A_398 = arith.constant 0 : i32
    %dma_start3A_399 = tpu.memref_slice %arg6[%dma_start3A_396, %dma_start3A_397, %dma_start3A_398] : memref<4x200x64xf32, #tpu.memory_space<vmem>> -> memref<1x200x64xf32, #tpu.memory_space<vmem>>
    %dma_start3A_400 = tpu.memref_squeeze %dma_start3A_399 : memref<1x200x64xf32, #tpu.memory_space<vmem>> -> memref<200x64xf32, #tpu.memory_space<vmem>>
    %dma_start3A_401 = arith.constant 0 : i32
    %dma_start3A_402 = arith.constant 0 : i32
    %dma_start3A_403 = tpu.memref_slice %arg4[%add3A_395, %dma_start3A_401, %dma_start3A_402] : memref<4096x200x128xf32, #tpu.memory_space<hbm>> -> memref<1x200x64xf32, #tpu.memory_space<hbm>>
    %dma_start3A_404 = tpu.memref_squeeze %dma_start3A_403 : memref<1x200x64xf32, #tpu.memory_space<hbm>> -> memref<200x64xf32, #tpu.memory_space<hbm>>
    %dma_start3A_405 = arith.constant 0 : i32
    %dma_start3A_406 = arith.constant 0 : i32
    %dma_start3A_407 = tpu.memref_slice %arg4[%add3A_395, %dma_start3A_405, %dma_start3A_406] : memref<4096x200x128xf32, #tpu.memory_space<hbm>> -> memref<1x200x64xf32, #tpu.memory_space<hbm>>
    %dma_start3A_408 = tpu.memref_squeeze %dma_start3A_407 : memref<1x200x64xf32, #tpu.memory_space<hbm>> -> memref<200x64xf32, #tpu.memory_space<hbm>>
    %dma_start3A_409 = arith.constant 0 : i32
    %dma_start3A_410 = arith.constant 0 : i32
    %dma_start3A_411 = tpu.memref_slice %arg6[%dma_start3A_396, %dma_start3A_409, %dma_start3A_410] : memref<4x200x64xf32, #tpu.memory_space<vmem>> -> memref<1x200x64xf32, #tpu.memory_space<vmem>>
    %dma_start3A_412 = tpu.memref_squeeze %dma_start3A_411 : memref<1x200x64xf32, #tpu.memory_space<vmem>> -> memref<200x64xf32, #tpu.memory_space<vmem>>
    tpu.enqueue_dma source(%dma_start3A_412 : memref<200x64xf32, #tpu.memory_space<vmem>>) target(%dma_start3A_408 : memref<200x64xf32, #tpu.memory_space<hbm>>) target_semaphore(%arg8 : memref<!tpu.dma_semaphore, #tpu.memory_space<semaphore_mem>>)
    %add3A_413 = arith.constant 125 : i32
    %add3A_414 = arith.addi %mul3A_2, %add3A_413 : i32
    %dma_wait3A_415 = arith.constant 1 : i32
    %dma_wait3A_416 = arith.constant 0 : i32
    %dma_wait3A_417 = arith.constant 0 : i32
    %dma_wait3A_418 = tpu.memref_slice %arg6[%dma_wait3A_415, %dma_wait3A_416, %dma_wait3A_417] : memref<4x200x64xf32, #tpu.memory_space<vmem>> -> memref<1x200x64xf32, #tpu.memory_space<vmem>>
    %dma_wait3A_419 = tpu.memref_squeeze %dma_wait3A_418 : memref<1x200x64xf32, #tpu.memory_space<vmem>> -> memref<200x64xf32, #tpu.memory_space<vmem>>
    %dma_wait3A_420 = arith.constant 0 : i32
    %dma_wait3A_421 = arith.constant 0 : i32
    %dma_wait3A_422 = tpu.memref_slice %arg4[%add3A_414, %dma_wait3A_420, %dma_wait3A_421] : memref<4096x200x128xf32, #tpu.memory_space<hbm>> -> memref<1x200x64xf32, #tpu.memory_space<hbm>>
    %dma_wait3A_423 = tpu.memref_squeeze %dma_wait3A_422 : memref<1x200x64xf32, #tpu.memory_space<hbm>> -> memref<200x64xf32, #tpu.memory_space<hbm>>
    %dma_wait3A_424 = arith.constant 0 : i32
    %dma_wait3A_425 = arith.constant 0 : i32
    %dma_wait3A_426 = tpu.memref_slice %arg4[%add3A_414, %dma_wait3A_424, %dma_wait3A_425] : memref<4096x200x128xf32, #tpu.memory_space<hbm>> -> memref<1x200x64xf32, #tpu.memory_space<hbm>>
    %dma_wait3A_427 = tpu.memref_squeeze %dma_wait3A_426 : memref<1x200x64xf32, #tpu.memory_space<hbm>> -> memref<200x64xf32, #tpu.memory_space<hbm>>
    %dma_wait3A_428 = arith.constant 0 : i32
    %dma_wait3A_429 = arith.constant 0 : i32
    %dma_wait3A_430 = tpu.memref_slice %arg6[%dma_wait3A_415, %dma_wait3A_428, %dma_wait3A_429] : memref<4x200x64xf32, #tpu.memory_space<vmem>> -> memref<1x200x64xf32, #tpu.memory_space<vmem>>
    %dma_wait3A_431 = tpu.memref_squeeze %dma_wait3A_430 : memref<1x200x64xf32, #tpu.memory_space<vmem>> -> memref<200x64xf32, #tpu.memory_space<vmem>>
    tpu.wait_dma2 semaphore(%arg8 : memref<!tpu.dma_semaphore, #tpu.memory_space<semaphore_mem>>) src(%dma_wait3A_431 : memref<200x64xf32, #tpu.memory_space<vmem>>) dst(%dma_wait3A_427 : memref<200x64xf32, #tpu.memory_space<hbm>>)
    %dma_wait3A_432 = arith.constant 127 : i32
    %dma_wait3A_433 = arith.constant 3 : i32
    %dma_wait3A_434 = arith.constant 0 : i32
    %dma_wait3A_435 = arith.constant 0 : i32
    %dma_wait3A_436 = tpu.memref_slice %arg6[%dma_wait3A_433, %dma_wait3A_434, %dma_wait3A_435] : memref<4x200x64xf32, #tpu.memory_space<vmem>> -> memref<1x200x64xf32, #tpu.memory_space<vmem>>
    %dma_wait3A_437 = tpu.memref_squeeze %dma_wait3A_436 : memref<1x200x64xf32, #tpu.memory_space<vmem>> -> memref<200x64xf32, #tpu.memory_space<vmem>>
    %dma_wait3A_438 = arith.constant 0 : i32
    %dma_wait3A_439 = tpu.memref_slice %arg5[%dma_wait3A_432, %dma_wait3A_438] : memref<128x200xi32, #tpu.memory_space<vmem>> -> memref<1x200xi32, #tpu.memory_space<vmem>>
    %dma_wait3A_440 = tpu.memref_squeeze %dma_wait3A_439 : memref<1x200xi32, #tpu.memory_space<vmem>> -> memref<200xi32, #tpu.memory_space<vmem>>
    %dma_wait3A_441 = arith.constant 0 : i32
    %dma_wait3A_442 = arith.constant 0 : i32
    %dma_wait3A_443 = tpu.memref_slice %arg3[%dma_wait3A_441, %dma_wait3A_442] : memref<1000000x64xf32, #tpu.memory_space<hbm>> -> memref<1000000x64xf32, #tpu.memory_space<hbm>>
    tpu.wait_indirect_dma semaphore(%arg7 : memref<!tpu.dma_semaphore, #tpu.memory_space<semaphore_mem>>) src(%dma_wait3A_443 : memref<1000000x64xf32, #tpu.memory_space<hbm>>) dst(%dma_wait3A_437 : memref<200x64xf32, #tpu.memory_space<vmem>>)
    %add3A_444 = arith.constant 127 : i32
    %add3A_445 = arith.addi %mul3A_2, %add3A_444 : i32
    %dma_start3A_446 = arith.constant 3 : i32
    %dma_start3A_447 = arith.constant 0 : i32
    %dma_start3A_448 = arith.constant 0 : i32
    %dma_start3A_449 = tpu.memref_slice %arg6[%dma_start3A_446, %dma_start3A_447, %dma_start3A_448] : memref<4x200x64xf32, #tpu.memory_space<vmem>> -> memref<1x200x64xf32, #tpu.memory_space<vmem>>
    %dma_start3A_450 = tpu.memref_squeeze %dma_start3A_449 : memref<1x200x64xf32, #tpu.memory_space<vmem>> -> memref<200x64xf32, #tpu.memory_space<vmem>>
    %dma_start3A_451 = arith.constant 0 : i32
    %dma_start3A_452 = arith.constant 0 : i32
    %dma_start3A_453 = tpu.memref_slice %arg4[%add3A_445, %dma_start3A_451, %dma_start3A_452] : memref<4096x200x128xf32, #tpu.memory_space<hbm>> -> memref<1x200x64xf32, #tpu.memory_space<hbm>>
    %dma_start3A_454 = tpu.memref_squeeze %dma_start3A_453 : memref<1x200x64xf32, #tpu.memory_space<hbm>> -> memref<200x64xf32, #tpu.memory_space<hbm>>
    %dma_start3A_455 = arith.constant 0 : i32
    %dma_start3A_456 = arith.constant 0 : i32
    %dma_start3A_457 = tpu.memref_slice %arg4[%add3A_445, %dma_start3A_455, %dma_start3A_456] : memref<4096x200x128xf32, #tpu.memory_space<hbm>> -> memref<1x200x64xf32, #tpu.memory_space<hbm>>
    %dma_start3A_458 = tpu.memref_squeeze %dma_start3A_457 : memref<1x200x64xf32, #tpu.memory_space<hbm>> -> memref<200x64xf32, #tpu.memory_space<hbm>>
    %dma_start3A_459 = arith.constant 0 : i32
    %dma_start3A_460 = arith.constant 0 : i32
    %dma_start3A_461 = tpu.memref_slice %arg6[%dma_start3A_446, %dma_start3A_459, %dma_start3A_460] : memref<4x200x64xf32, #tpu.memory_space<vmem>> -> memref<1x200x64xf32, #tpu.memory_space<vmem>>
    %dma_start3A_462 = tpu.memref_squeeze %dma_start3A_461 : memref<1x200x64xf32, #tpu.memory_space<vmem>> -> memref<200x64xf32, #tpu.memory_space<vmem>>
    tpu.enqueue_dma source(%dma_start3A_462 : memref<200x64xf32, #tpu.memory_space<vmem>>) target(%dma_start3A_458 : memref<200x64xf32, #tpu.memory_space<hbm>>) target_semaphore(%arg8 : memref<!tpu.dma_semaphore, #tpu.memory_space<semaphore_mem>>)
    %add3A_463 = arith.constant 126 : i32
    %add3A_464 = arith.addi %mul3A_2, %add3A_463 : i32
    %dma_wait3A_465 = arith.constant 2 : i32
    %dma_wait3A_466 = arith.constant 0 : i32
    %dma_wait3A_467 = arith.constant 0 : i32
    %dma_wait3A_468 = tpu.memref_slice %arg6[%dma_wait3A_465, %dma_wait3A_466, %dma_wait3A_467] : memref<4x200x64xf32, #tpu.memory_space<vmem>> -> memref<1x200x64xf32, #tpu.memory_space<vmem>>
    %dma_wait3A_469 = tpu.memref_squeeze %dma_wait3A_468 : memref<1x200x64xf32, #tpu.memory_space<vmem>> -> memref<200x64xf32, #tpu.memory_space<vmem>>
    %dma_wait3A_470 = arith.constant 0 : i32
    %dma_wait3A_471 = arith.constant 0 : i32
    %dma_wait3A_472 = tpu.memref_slice %arg4[%add3A_464, %dma_wait3A_470, %dma_wait3A_471] : memref<4096x200x128xf32, #tpu.memory_space<hbm>> -> memref<1x200x64xf32, #tpu.memory_space<hbm>>
    %dma_wait3A_473 = tpu.memref_squeeze %dma_wait3A_472 : memref<1x200x64xf32, #tpu.memory_space<hbm>> -> memref<200x64xf32, #tpu.memory_space<hbm>>
    %dma_wait3A_474 = arith.constant 0 : i32
    %dma_wait3A_475 = arith.constant 0 : i32
    %dma_wait3A_476 = tpu.memref_slice %arg4[%add3A_464, %dma_wait3A_474, %dma_wait3A_475] : memref<4096x200x128xf32, #tpu.memory_space<hbm>> -> memref<1x200x64xf32, #tpu.memory_space<hbm>>
    %dma_wait3A_477 = tpu.memref_squeeze %dma_wait3A_476 : memref<1x200x64xf32, #tpu.memory_space<hbm>> -> memref<200x64xf32, #tpu.memory_space<hbm>>
    %dma_wait3A_478 = arith.constant 0 : i32
    %dma_wait3A_479 = arith.constant 0 : i32
    %dma_wait3A_480 = tpu.memref_slice %arg6[%dma_wait3A_465, %dma_wait3A_478, %dma_wait3A_479] : memref<4x200x64xf32, #tpu.memory_space<vmem>> -> memref<1x200x64xf32, #tpu.memory_space<vmem>>
    %dma_wait3A_481 = tpu.memref_squeeze %dma_wait3A_480 : memref<1x200x64xf32, #tpu.memory_space<vmem>> -> memref<200x64xf32, #tpu.memory_space<vmem>>
    tpu.wait_dma2 semaphore(%arg8 : memref<!tpu.dma_semaphore, #tpu.memory_space<semaphore_mem>>) src(%dma_wait3A_481 : memref<200x64xf32, #tpu.memory_space<vmem>>) dst(%dma_wait3A_477 : memref<200x64xf32, #tpu.memory_space<hbm>>)
    %add3A_482 = arith.constant 127 : i32
    %add3A_483 = arith.addi %mul3A_2, %add3A_482 : i32
    %dma_wait3A_484 = arith.constant 3 : i32
    %dma_wait3A_485 = arith.constant 0 : i32
    %dma_wait3A_486 = arith.constant 0 : i32
    %dma_wait3A_487 = tpu.memref_slice %arg6[%dma_wait3A_484, %dma_wait3A_485, %dma_wait3A_486] : memref<4x200x64xf32, #tpu.memory_space<vmem>> -> memref<1x200x64xf32, #tpu.memory_space<vmem>>
    %dma_wait3A_488 = tpu.memref_squeeze %dma_wait3A_487 : memref<1x200x64xf32, #tpu.memory_space<vmem>> -> memref<200x64xf32, #tpu.memory_space<vmem>>
    %dma_wait3A_489 = arith.constant 0 : i32
    %dma_wait3A_490 = arith.constant 0 : i32
    %dma_wait3A_491 = tpu.memref_slice %arg4[%add3A_483, %dma_wait3A_489, %dma_wait3A_490] : memref<4096x200x128xf32, #tpu.memory_space<hbm>> -> memref<1x200x64xf32, #tpu.memory_space<hbm>>
    %dma_wait3A_492 = tpu.memref_squeeze %dma_wait3A_491 : memref<1x200x64xf32, #tpu.memory_space<hbm>> -> memref<200x64xf32, #tpu.memory_space<hbm>>
    %dma_wait3A_493 = arith.constant 0 : i32
    %dma_wait3A_494 = arith.constant 0 : i32
    %dma_wait3A_495 = tpu.memref_slice %arg4[%add3A_483, %dma_wait3A_493, %dma_wait3A_494] : memref<4096x200x128xf32, #tpu.memory_space<hbm>> -> memref<1x200x64xf32, #tpu.memory_space<hbm>>
    %dma_wait3A_496 = tpu.memref_squeeze %dma_wait3A_495 : memref<1x200x64xf32, #tpu.memory_space<hbm>> -> memref<200x64xf32, #tpu.memory_space<hbm>>
    %dma_wait3A_497 = arith.constant 0 : i32
    %dma_wait3A_498 = arith.constant 0 : i32
    %dma_wait3A_499 = tpu.memref_slice %arg6[%dma_wait3A_484, %dma_wait3A_497, %dma_wait3A_498] : memref<4x200x64xf32, #tpu.memory_space<vmem>> -> memref<1x200x64xf32, #tpu.memory_space<vmem>>
    %dma_wait3A_500 = tpu.memref_squeeze %dma_wait3A_499 : memref<1x200x64xf32, #tpu.memory_space<vmem>> -> memref<200x64xf32, #tpu.memory_space<vmem>>
    tpu.wait_dma2 semaphore(%arg8 : memref<!tpu.dma_semaphore, #tpu.memory_space<semaphore_mem>>) src(%dma_wait3A_500 : memref<200x64xf32, #tpu.memory_space<vmem>>) dst(%dma_wait3A_496 : memref<200x64xf32, #tpu.memory_space<hbm>>)
    return
  }
}

</mosaic_0001>

<sc_bundles>
// kernel: _embedding_lookup.3.cloned.1.call-start
scs
__scs_entry_jumppad:
0x0: {  	(pc) =	sbr.rel $0x88, $3  }
0x1: {  	(tag) =	ssettag $0x0;
	lr =	simm.s32 $0x1  }
0x2: {  	[smem:$0x3F9F] =	sst lr;
	_ =	strace $0xD0000000  }
0x3: {  	_ = 	snop  }
0x4: {  	_ = 	snop  }
0x5: {  	_ = 	snop  }
0x6: {  	_ = 	snop  }
0x7: {  	_ = 	snop  }
__scs_overlays_trampoline_lowered:
0x8: {  	[smem:$0x3FAE] =	sst s0  }
0x9: {  	[smem:$0x3FAF] =	sst s1  }
0xa: {  	[smem:$0x3FB0] =	sst s2  }
0xb: {  	[smem:$0x3FB1] =	sst s3  }
0xc: {  	[smem:$0x3FB2] =	sst s4  }
0xd: {  	[smem:$0x3FB3] =	sst s5  }
0xe: {  	[smem:$0x3FB4] =	sst s6  }
0xf: {  	[smem:$0x3FB5] =	sst s7  }
0x10: {  	[smem:$0x3FB6] =	sst s8  }
0x11: {  	[smem:$0x3FB7] =	sst s9;
	s0 =	simm.s32 @!p0 $0x0  }
0x12: {  	s1 =	sld [smem:$0x3F9D];
	s0 =	simm.s32 @p0 $0x1  }
0x13: {  	[smem:$0x3FB8] =	sst s0;
	s0 =	simm.s32 @!p1 $0x0  }
0x14: {  	s2 =	sld [smem:$0x3F9C];
	s0 =	simm.s32 @p1 $0x1  }
0x15: {  	[smem:$0x3FB9] =	sst s0;
	s0 =	simm.s32 @!p2 $0x0  }
0x16: {  	s3 =	sld [smem:$0x3FDB];
	s0 =	simm.s32 @p2 $0x1  }
0x17: {  	s4 =	simm.s32 $0x1BF5;
	[smem:$0x3FBB] =	sst s0  }
0x18: {  	s0 =	sld [smem:$0x3F9E];
	_ =	swait.ge [sflag:s4], $0x0  }
0x19: {  	s7 =	sld [smem:$0x3F9F]  }
0x1a: {  	s8 =	sadd.s32 $0xFFFFE003, lr  }
0x1b: {  	s9 =	sadd.s32 $0xFFFFFEF7, lr;
	s5 =	simm.s32 $0xFFFFFFFF;
	p2 =	slt.u32 s8, $0xFFFFF086  }
0x1c: {  	p1 =	slt.u32 s9, $0xF7A;
	s5 =	simm.s32 @!p2 $0x0  }
0x1d: {  	s5 =	simm.s32 @p1 $0x1;
	p0 =	seq.s32 s7, s2  }
0x1e: {  	s7 =	smul.u32 @!p0 $0xF7A, s2;
	p2 =	seq.s32 @!p0 s5, $0x0  }
0x1f: {  	s9 =	smul.u32 $0xF7A, s1;
	s8 =	simm.s32 @!p0 $0x1BF5;
	p2 =	por !p2, p0  }
0x20: {  	[sflag:s8] =	ssyncset.s32 @!p0 $0xFFFFF086;
	s6 =	sadd.s32 @!p0 s3, s7;
	s7 =	simm.s32 @!p0 $0x108  }
0x21: {  	s3 =	sadd.s32 s3, s9;
	s6 =	sadd.s32 @!p0 $0x88, s6;
	s7 =	simm.s32 @p2 $0x1082  }
0x22: {  	[simem:s7], [sflag:s8] =	dma.local @!p0 [hbm:s6], $0xF7A  }
0x23: {  	s9 =	sor.u32 $0xD0000000, s2;
	s6 =	simm.s32 $0x108;
	_ =	swait.ge @!p0 [sflag:s8], $0x0  }
0x24: {  	s3 =	sadd.s32 $0x88, s3;
	s6 =	simm.s32 @!p1 $0x1082;
	[sflag:s4] =	ssyncset.s32 $0xFFFFF086  }
0x25: {  	[simem:s6], [sflag:s4] =	dma.local [hbm:s3], $0xF7A  }
0x26: {  	[smem:$0x3F9F] =	sst s1;
	(tag) =	ssettag s2;
	_ =	strace s9  }
0x27: {  	s1 =	sld [smem:$0x3FAF]  }
0x28: {  	s2 =	sld [smem:$0x3FB0]  }
0x29: {  	s4 =	sld [smem:$0x3FB2]  }
0x2a: {  	p0 =	seq.s32 s5, $0x0;
	s5 =	sld [smem:$0x3FB3]  }
0x2b: {  	s6 =	sld [smem:$0x3FB4]  }
0x2c: {  	s7 =	sld [smem:$0x3FB5]  }
0x2d: {  	s3 =	simm.s32 $0x108;
	s8 =	sld [smem:$0x3FB6]  }
0x2e: {  	s3 =	simm.s32 @!p0 $0x1082;
	s9 =	sld [smem:$0x3FB7]  }
0x2f: {  	lr =	sadd.s32 s0, s3;
	s0 =	sld [smem:$0x3FAE]  }
0x30: {  	s3 =	sld [smem:$0x3FB1]  }
0x31: {  	[smem:$0x3FBA] =	sst s10  }
0x32: {  	s10 =	sld [smem:$0x3FB8];
	_ =	sdelay $0x3  }
0x33: {  	p0 =	seq.s32 s10, $0x1;
	s10 =	sld [smem:$0x3FBA];
	_ =	sdelay $0x3  }
0x34: {  	[smem:$0x3FBA] =	sst s10  }
0x35: {  	s10 =	sld [smem:$0x3FB9];
	_ =	sdelay $0x3  }
0x36: {  	p1 =	seq.s32 s10, $0x1;
	s10 =	sld [smem:$0x3FBA];
	_ =	sdelay $0x3  }
0x37: {  	[smem:$0x3FBA] =	sst s10  }
0x38: {  	s10 =	sld [smem:$0x3FBB]  }
0x39: {  	_ = 	snop;
	(pc) =	sbr.ind lr, $3  }
0x3a: {  	_ = 	snop  }
0x3b: {  	_ = 	snop  }
0x3c: {  	p2 =	seq.s32 s10, $0x1;
	s10 =	sld [smem:$0x3FBA]  }
0x3d: {  	_ =	shalt  }
0x3e: {  	_ =	shalt  }
0x3f: {  	_ =	shalt  }
0x40: {  	_ =	shalt  }
0x41: {  	_ =	shalt  }
0x42: {  	_ =	shalt  }
0x43: {  	_ =	shalt  }
0x44: {  	_ =	shalt  }
0x45: {  	_ =	shalt  }
0x46: {  	_ =	shalt  }
0x47: {  	_ =	shalt  }
0x48: {  	_ =	shalt  }
0x49: {  	_ =	shalt  }
0x4a: {  	_ =	shalt  }
0x4b: {  	_ =	shalt  }
0x4c: {  	_ =	shalt  }
0x4d: {  	_ =	shalt  }
0x4e: {  	_ =	shalt  }
0x4f: {  	_ =	shalt  }
0x50: {  	_ =	shalt  }
0x51: {  	_ =	shalt  }
0x52: {  	_ =	shalt  }
0x53: {  	_ =	shalt  }
0x54: {  	_ =	shalt  }
0x55: {  	_ =	shalt  }
0x56: {  	_ =	shalt  }
0x57: {  	_ =	shalt  }
0x58: {  	_ =	shalt  }
0x59: {  	_ =	shalt  }
0x5a: {  	_ =	shalt  }
0x5b: {  	_ =	shalt  }
0x5c: {  	_ =	shalt  }
0x5d: {  	_ =	shalt  }
0x5e: {  	_ =	shalt  }
0x5f: {  	_ =	shalt  }
0x60: {  	_ =	shalt  }
0x61: {  	_ =	shalt  }
0x62: {  	_ =	shalt  }
0x63: {  	_ =	shalt  }
0x64: {  	_ =	shalt  }
0x65: {  	_ =	shalt  }
0x66: {  	_ =	shalt  }
0x67: {  	_ =	shalt  }
0x68: {  	_ =	shalt  }
0x69: {  	_ =	shalt  }
0x6a: {  	_ =	shalt  }
0x6b: {  	_ =	shalt  }
0x6c: {  	_ =	shalt  }
0x6d: {  	_ =	shalt  }
0x6e: {  	_ =	shalt  }
0x6f: {  	_ =	shalt  }
0x70: {  	_ =	shalt  }
0x71: {  	_ =	shalt  }
0x72: {  	_ =	shalt  }
0x73: {  	_ =	shalt  }
0x74: {  	_ =	shalt  }
0x75: {  	_ =	shalt  }
0x76: {  	_ =	shalt  }
0x77: {  	_ =	shalt  }
0x78: {  	_ =	shalt  }
0x79: {  	_ =	shalt  }
0x7a: {  	_ =	shalt  }
0x7b: {  	_ =	shalt  }
0x7c: {  	_ =	shalt  }
0x7d: {  	_ =	shalt  }
0x7e: {  	_ =	shalt  }
0x7f: {  	_ =	shalt  }
0x80: {  	_ =	shalt  }
0x81: {  	_ =	shalt  }
0x82: {  	_ =	shalt  }
0x83: {  	_ =	shalt  }
0x84: {  	_ =	shalt  }
0x85: {  	_ =	shalt  }
0x86: {  	_ =	shalt  }
0x87: {  	_ =	shalt  }
.Lfunc_end0:
.L_simem_size_0:
called_computation_lowered:
.L_overlay_start_0:
0x88: {  	s2 =	sld [smem:$0x3FD9]  }
0x89: {  	s3 =	sld [smem:$0x3FFE];
	_ =	sdelay $0x1  }
0x8a: {  	s1 =	srdreg.scid  }
0x8b: {  	s0 =	sand.u32 $0x1, s1  }
0x8c: {  	s17 =	sshll.u32 s0, $0xA;
	s2 =	sadd.s32 s3, s2  }
0x8d: {  	s2 =	sadd.s32 s2, s17  }
0x8e: {  	[smem:$0x3FC6] =	sst s2  }
0x8f: {  	_ = 	snop  }
0x90: {  	s2 =	sld [smem:$0x3FD0];
	(tm) =	ssettm $0x1  }
0x91: {  	s18 =	sld [smem:$0x3FFB];
	_ =	sdelay $0x3  }
0x92: {  	_ =	strace s18  }
0x93: {  	s3 =	sld [smem:$0x3FFC];
	_ =	sdelay $0x3  }
0x94: {  	_ =	strace s3  }
0x95: {  	s3 =	sld [smem:$0x3FFD];
	_ =	sdelay $0x3  }
0x96: {  	_ =	strace s3  }
0x97: {  	_ =	strace $0x8FFFFFFF  }
0x98: {  	s19 =	sld [smem:$0x3FDB];
	_ =	sdelay $0x1  }
0x99: {  	s4 =	simm.s32 $_scs_section_size  }
0x9a: {  	s5 =	simm.s32 $_size__tile_overlayer_lowered;
	s6 =	simm.s32 $_tile_overlayer_lowered  }
0x9b: {  	s22 =	simm.s32 $0x1BFF;
	s21 =	sshll.u32 s6, $0x1;
	s3 =	sadd.s32 s4, s19  }
0x9c: {  	s7 =	simm.s32 $0x0;
	s20 =	sshll.u32 s5, $0x1;
	s5 =	sadd.s32 s21, s3  }
0x9d: {  	[timem:s7], [sflag:s22] =	dma.local [hbm:s5], s20  }
0x9e: {  	_ =	swait.ge [sflag:s22], s20  }
0x9f: {  	s4 =	ssub.s32 $0x0, s20;
	[sflag:s22] =	ssyncset.done $0x0  }
0xa0: {  	[sflag:s22] =	ssyncadd.s32 s4;
	_ =	sdelay $0x1  }
0xa1: {  	s23 =	simm.s32 $0x1B8B  }
0xa2: {  	_ =	swait.ge [sflag:s23], $0x1  }
0xa3: {  	[sflag:s23] =	ssyncset.done $0x0  }
0xa4: {  	s25 =	simm.s32 $0x1B8E;
	s24 =	sld [smem:$0x3FFE];
	[sflag:s23] =	ssyncadd.s32 $0xFFFFFFFF  }
0xa5: {  	s26 =	simm.s32 $execute0_lowered;
	[smem:$0x3FD2] =	sst s25  }
0xa6: {  	s5 =	sshll.u32 s26, $0x1;
	_ =	strace $0x80000046;
	[dreg:$0x1] =	wrdreg $0xFFFFFFFF  }
0xa7: {  	s28 =	simm.s32 $_size_execute0_lowered;
	s3 =	sadd.s32 s3, s5;
	[dreg:$0x0] =	wrdreg $0x0  }
0xa8: {  	s5 =	sshll.u32 s28, $0x1;
	[dreg:$0x2] =	wrdreg s3  }
0xa9: {  	[dreg:$0x3] =	wrdreg s5  }
0xaa: {  	[dreg:$0x4] =	wrdreg $0xC0  }
0xab: {  	_ =	task [dreg:s7], $0x5FFFF  }
0xac: {  	[dreg:$0x1] =	wrdreg $0xFFFFFFFF  }
0xad: {  	[dreg:$0x0] =	wrdreg $0x60  }
0xae: {  	[dreg:$0x2] =	wrdreg s24  }
0xaf: {  	[dreg:$0x3] =	wrdreg s2  }
0xb0: {  	[dreg:$0x4] =	wrdreg $0x9  }
0xb1: {  	_ =	task.clear_ibuf [dreg:s7], $0x5FFFF;
	_ =	strace $0x90000046  }
0xb2: {  	s29 =	simm.s32 $0x9;
	_ =	strace $0x80000048  }
0xb3: {  	_ =	swait.ge [sflag:s29], $0x1  }
0xb4: {  	[sflag:s29] =	ssyncadd.s32 $0xFFFFFFFF  }
0xb5: {  	_ =	strace $0x90000048  }
0xb6: {  	_ =	sfence  }
0xb7: {  	s30 =	sld [smem:$0x0];
	_ =	sdelay $0x2  }
0xb8: {  	s31 =	sshll.u32 s1, $0xD;
	s1 =	sshrl.u32 s1, $0x2  }
0xb9: {  	s3 =	sand.u32 $0x4000, s31;
	s1 =	sadd.s32 s1, s30  }
0xba: {  	s0 =	sor.u32 s3, s0;
	s1 =	sshll.u32 s1, $0x11  }
0xbb: {  	s0 =	sor.u32 s1, s0  }
0xbc: {  	s0 =	sadd.s32 $0x8F2B, s0  }
0xbd: {  	[sflag:s0] =	ssyncadd.remote.s32 $0x1  }
0xbe: {  	_ =	sfence.sel $0xFFFF  }
0xbf: {  	[dreg:$0x0] =	wrdreg $0xFFFFFFFF;
	(pc) =	sbr.abs _section_cstart, $3  }
0xc0: {  	[dreg:$0x1] =	wrdreg $0xFFFFFFFF  }
0xc1: {  	_ =	task.clear_ibuf [dreg:s7], $0x2FFFF;
	_ =	strace $0x9FFFFFFF  }
0xc2: {  	(tm) =	ssettm $0x7FFFFFFF  }
0xc3: {  	_ =	shalt  }
tec
execute0_lowered:
.L_overlay_start_1:
0x0: {  	(tag) =	ssettag $0x1  }
0x1: {  	s0 =	srdreg.scid;
	s1 =	rddreg [dreg:$0x0]  }
0x2: {  	s9 =	stileid.u32;
	s12 =	rddreg [dreg:$0x1];
	s2 =	simm.s32 $0x0  }
0x3: {  	s15 =	simm.s32 $0x3;
	s16 =	simm.s32 $0xC8;
	s17 =	simm.s32 $0x6400  }
0x4: {  	s18 =	simm.s32 $0x9600;
	s20 =	simm.s32 $0xC800;
	s21 =	simm.s32 $0x1  }
0x5: {  	s22 =	simm.s32 $0x40;
	s23 =	simm.s32 $0x80;
	s25 =	simm.s32 $0xFA00  }
0x6: {  	s29 =	simm.s32 $0x3E8;
	s30 =	simm.s32 $0x4B0;
	s0 =	sand.u32 $0x1, s0  }
0x7: {  	s3 =	sshll.u32 s9, $0x8;
	s14 =	smul.u32 $0xC8000, s9;
	s4 =	sshll.u32 s0, $0x7  }
0x8: {  	s5 =	ssub.s32 $0x2, s0;
	s0 =	smul.u32 $0x64000, s0;
	s3 =	sor.u32 s4, s3  }
0x9: {  	s31 =	simm.s32 $0x6338;
	[smem:$0x7FF] =	sst s2;
	s4 =	smul.u32 $0x19, s3  }
0xa: {  	_ =	strace $0x80000047;
	s26 =	sshrl.u32 s5, $0x1;
	s6 =	smul.u32 $0xC80, s3  }
0xb: {  	s14 =	sadd.s32 s14, s12;
	s8 =	smul.u32 $0x6400, s3;
	s3 =	sadd.s32 $0xF42A00, s1  }
0xc: {  	s28 =	ssub.s32 s5, s26;
	s0 =	sadd.s32 s0, s14;
	s26 =	simm.s32 $0x2  }
0xd: {  	s14 =	sadd.s32 $0x3200, s0;
	s7 =	sadd.s32 s4, s1;
	s4 =	sadd.s32 s12, s6  }
0xe: {  	s8 =	sshrl.u32 s8, $0x3;
	s1 =	simm.s32 $0x0;
	s5 =	sadd.s32 $0x600, s7  }
0xf: {  	s6 =	sadd.s32 $0xC80, s4;
	s7 =	sadd.s32 $0x1900, s4;
	s13 =	sadd.s32 s12, s8  }
0x10: {  	s8 =	sadd.s32 $0x2580, s4;
	s9 =	sadd.s32 $0x60E00, s13;
	s10 =	sadd.s32 $0x61A80, s13  }
0x11: {  	s11 =	sadd.s32 $0x62700, s13;
	s12 =	sadd.s32 $0x63380, s13;
	s13 =	smax.u32 s28, $0x1  }
.LBB2_1:
0x12: {  	[tilespmem:s2], [sflag:$0x3] =	stream.linear.gather [hbm4b:s5+s2], $0x6400, $0x38;
	[tilespmem:$0x12C00] =	vst v63  }
0x13: {  	_ =	swait.ge [sflag:s15], $0x6400  }
0x14: {  	[sflag:s15] =	ssyncset.done $0x0  }
0x15: {  	[sflag:s15] =	ssyncadd.s32 $0xFFFF9C00  }
0x16: {  	[tilespmem:s17], [sflag:$0x1] =	stream.indirect.gather [hbm4b:s3+s16], $0x40, s2, s16, $0xb8;
	[tilespmem:$0x12C00] =	vst v63  }
0x17: {  	_ = 	snop  }
0x18: {  	[tilespmem:s18], [sflag:$0x1] =	stream.indirect.gather [hbm4b:s3+s16], $0x40, s16, s16, $0xb8;
	[tilespmem:$0x12C00] =	vst v63  }
0x19: {  	s0 =	simm.s32 $0x190  }
0x1a: {  	[tilespmem:s20], [sflag:$0x1] =	stream.indirect.gather [hbm4b:s3+s16], $0x40, s0, s16, $0xb8;
	[tilespmem:$0x12C00] =	vst v63  }
0x1b: {  	_ =	swait.ge [sflag:s21], $0x3200  }
0x1c: {  	[sflag:s21] =	ssyncset.done $0x0  }
0x1d: {  	[sflag:s21] =	ssyncadd.s32 $0xFFFFCE00  }
0x1e: {  	[hbm4b:s4+s22] =	stream.strided.scatter [tilespmem:s17], [sflag:$0x2], $0x3200, s23, s22, $0x38;
	[tilespmem:$0x12C00] =	vst v63  }
0x1f: {  	s24 =	simm.s32 $0x258  }
0x20: {  	[tilespmem:s25], [sflag:$0x1] =	stream.indirect.gather [hbm4b:s3+s16], $0x40, s24, s16, $0xb8;
	[tilespmem:$0x12C00] =	vst v63  }
0x21: {  	_ =	swait.ge [sflag:s21], $0x3200  }
0x22: {  	[sflag:s21] =	ssyncset.done $0x0  }
0x23: {  	[sflag:s21] =	ssyncadd.s32 $0xFFFFCE00  }
0x24: {  	[hbm4b:s6+s22] =	stream.strided.scatter [tilespmem:s18], [sflag:$0x2], $0x3200, s23, s22, $0x38;
	[tilespmem:$0x12C00] =	vst v63  }
0x25: {  	_ =	swait.ge [sflag:s26], $0x3200  }
0x26: {  	[sflag:s26] =	ssyncset.done $0x0  }
0x27: {  	s28 =	simm.s32 $0x320;
	[sflag:s26] =	ssyncadd.s32 $0xFFFFCE00  }
0x28: {  	[tilespmem:s17], [sflag:$0x1] =	stream.indirect.gather [hbm4b:s3+s16], $0x40, s28, s16, $0xb8;
	[tilespmem:$0x12C00] =	vst v63  }
0x29: {  	_ =	swait.ge [sflag:s21], $0x3200  }
0x2a: {  	[sflag:s21] =	ssyncset.done $0x0  }
0x2b: {  	[sflag:s21] =	ssyncadd.s32 $0xFFFFCE00  }
0x2c: {  	[hbm4b:s7+s22] =	stream.strided.scatter [tilespmem:s20], [sflag:$0x2], $0x3200, s23, s22, $0x38;
	[tilespmem:$0x12C00] =	vst v63  }
0x2d: {  	_ =	swait.ge [sflag:s26], $0x3200  }
0x2e: {  	[sflag:s26] =	ssyncset.done $0x0  }
0x2f: {  	[sflag:s26] =	ssyncadd.s32 $0xFFFFCE00  }
0x30: {  	[tilespmem:s18], [sflag:$0x1] =	stream.indirect.gather [hbm4b:s3+s16], $0x40, s29, s16, $0xb8;
	[tilespmem:$0x12C00] =	vst v63  }
0x31: {  	_ =	swait.ge [sflag:s21], $0x3200  }
0x32: {  	[sflag:s21] =	ssyncset.done $0x0  }
0x33: {  	[sflag:s21] =	ssyncadd.s32 $0xFFFFCE00  }
0x34: {  	[hbm4b:s8+s22] =	stream.strided.scatter [tilespmem:s25], [sflag:$0x2], $0x3200, s23, s22, $0x38;
	[tilespmem:$0x12C00] =	vst v63  }
0x35: {  	_ =	swait.ge [sflag:s26], $0x3200  }
0x36: {  	[sflag:s26] =	ssyncset.done $0x0  }
0x37: {  	[sflag:s26] =	ssyncadd.s32 $0xFFFFCE00  }
0x38: {  	[tilespmem:s20], [sflag:$0x1] =	stream.indirect.gather [hbm4b:s3+s16], $0x40, s30, s16, $0xb8;
	[tilespmem:$0x12C00] =	vst v63  }
0x39: {  	_ =	swait.ge [sflag:s21], $0x3200  }
0x3a: {  	[sflag:s21] =	ssyncset.done $0x0  }
0x3b: {  	[sflag:s21] =	ssyncadd.s32 $0xFFFFCE00  }
0x3c: {  	[hbm4b:s14+s22] =	stream.strided.scatter [tilespmem:s17], [sflag:$0x2], $0x3200, s23, s22, $0x38;
	[tilespmem:$0x12C00] =	vst v63  }
0x3d: {  	_ =	swait.ge [sflag:s26], $0x3200  }
0x3e: {  	[sflag:s26] =	ssyncset.done $0x0  }
0x3f: {  	s19 =	simm.s32 $0x578;
	[sflag:s26] =	ssyncadd.s32 $0xFFFFCE00  }
0x40: {  	[tilespmem:s25], [sflag:$0x1] =	stream.indirect.gather [hbm4b:s3+s16], $0x40, s19, s16, $0xb8;
	[tilespmem:$0x12C00] =	vst v63  }
0x41: {  	_ =	swait.ge [sflag:s21], $0x3200  }
0x42: {  	[sflag:s21] =	ssyncset.done $0x0  }
0x43: {  	s24 =	sadd.s32 $0xC80, s14;
	[sflag:s21] =	ssyncadd.s32 $0xFFFFCE00  }
0x44: {  	[hbm4b:s24+s22] =	stream.strided.scatter [tilespmem:s18], [sflag:$0x2], $0x3200, s23, s22, $0x38;
	[tilespmem:$0x12C00] =	vst v63  }
0x45: {  	_ =	swait.ge [sflag:s26], $0x3200  }
0x46: {  	[sflag:s26] =	ssyncset.done $0x0  }
0x47: {  	s28 =	simm.s32 $0x640;
	[sflag:s26] =	ssyncadd.s32 $0xFFFFCE00  }
0x48: {  	[tilespmem:s17], [sflag:$0x1] =	stream.indirect.gather [hbm4b:s3+s16], $0x40, s28, s16, $0xb8;
	[tilespmem:$0x12C00] =	vst v63  }
0x49: {  	_ =	swait.ge [sflag:s21], $0x3200  }
0x4a: {  	[sflag:s21] =	ssyncset.done $0x0  }
0x4b: {  	s19 =	sadd.s32 $0x1900, s14;
	[sflag:s21] =	ssyncadd.s32 $0xFFFFCE00  }
0x4c: {  	[hbm4b:s19+s22] =	stream.strided.scatter [tilespmem:s20], [sflag:$0x2], $0x3200, s23, s22, $0x38;
	[tilespmem:$0x12C00] =	vst v63  }
0x4d: {  	_ =	swait.ge [sflag:s26], $0x3200  }
0x4e: {  	[sflag:s26] =	ssyncset.done $0x0  }
0x4f: {  	s24 =	simm.s32 $0x708;
	[sflag:s26] =	ssyncadd.s32 $0xFFFFCE00  }
0x50: {  	[tilespmem:s18], [sflag:$0x1] =	stream.indirect.gather [hbm4b:s3+s16], $0x40, s24, s16, $0xb8;
	[tilespmem:$0x12C00] =	vst v63  }
0x51: {  	_ =	swait.ge [sflag:s21], $0x3200  }
0x52: {  	[sflag:s21] =	ssyncset.done $0x0  }
0x53: {  	s28 =	sadd.s32 $0x2580, s14;
	[sflag:s21] =	ssyncadd.s32 $0xFFFFCE00  }
0x54: {  	[hbm4b:s28+s22] =	stream.strided.scatter [tilespmem:s25], [sflag:$0x2], $0x3200, s23, s22, $0x38;
	[tilespmem:$0x12C00] =	vst v63  }
0x55: {  	_ =	swait.ge [sflag:s26], $0x3200  }
0x56: {  	s0 =	simm.s32 $0xC80;
	[sflag:s26] =	ssyncset.done $0x0  }
0x57: {  	s19 =	sadd.s32 $0x3200, s14;
	s24 =	simm.s32 $0x7D0;
	[sflag:s26] =	ssyncadd.s32 $0xFFFFCE00  }
.LBB2_2:
0x58: {  	[tilespmem:s20], [sflag:$0x1] =	stream.indirect.gather [hbm4b:s3+s16], $0x40, s24, s16, $0xb8;
	[tilespmem:$0x12C00] =	vst v63  }
0x59: {  	s24 =	smov.u32 s0  }
0x5a: {  	p0 =	sne.s32 s0, $0x16A80;
	s0 =	sadd.s32 $0xC80, s0;
	_ =	swait.ge [sflag:s21], $0x3200  }
0x5b: {  	[sflag:s21] =	ssyncset.done $0x0  }
0x5c: {  	[sflag:s21] =	ssyncadd.s32 $0xFFFFCE00  }
0x5d: {  	[hbm4b:s19+s22] =	stream.strided.scatter [tilespmem:s17], [sflag:$0x2], $0x3200, s23, s22, $0x38;
	[tilespmem:$0x12C00] =	vst v63  }
0x5e: {  	_ =	swait.ge [sflag:s26], $0x3200  }
0x5f: {  	s24 =	sshra.s32 s24, $0x2;
	[sflag:s26] =	ssyncset.done $0x0  }
0x60: {  	s28 =	sadd.s32 $0x578, s24;
	[sflag:s26] =	ssyncadd.s32 $0xFFFFCE00  }
0x61: {  	[tilespmem:s25], [sflag:$0x1] =	stream.indirect.gather [hbm4b:s3+s16], $0x40, s28, s16, $0xb8;
	[tilespmem:$0x12C00] =	vst v63  }
0x62: {  	_ =	swait.ge [sflag:s21], $0x3200  }
0x63: {  	[sflag:s21] =	ssyncset.done $0x0  }
0x64: {  	s28 =	sadd.s32 $0xC80, s19;
	[sflag:s21] =	ssyncadd.s32 $0xFFFFCE00  }
0x65: {  	[hbm4b:s28+s22] =	stream.strided.scatter [tilespmem:s18], [sflag:$0x2], $0x3200, s23, s22, $0x38;
	[tilespmem:$0x12C00] =	vst v63  }
0x66: {  	_ =	swait.ge [sflag:s26], $0x3200  }
0x67: {  	[sflag:s26] =	ssyncset.done $0x0  }
0x68: {  	s28 =	sadd.s32 $0x640, s24;
	[sflag:s26] =	ssyncadd.s32 $0xFFFFCE00  }
0x69: {  	[tilespmem:s17], [sflag:$0x1] =	stream.indirect.gather [hbm4b:s3+s16], $0x40, s28, s16, $0xb8;
	[tilespmem:$0x12C00] =	vst v63  }
0x6a: {  	_ =	swait.ge [sflag:s21], $0x3200  }
0x6b: {  	[sflag:s21] =	ssyncset.done $0x0  }
0x6c: {  	s28 =	sadd.s32 $0x1900, s19;
	[sflag:s21] =	ssyncadd.s32 $0xFFFFCE00  }
0x6d: {  	[hbm4b:s28+s22] =	stream.strided.scatter [tilespmem:s20], [sflag:$0x2], $0x3200, s23, s22, $0x38;
	[tilespmem:$0x12C00] =	vst v63  }
0x6e: {  	_ =	swait.ge [sflag:s26], $0x3200  }
0x6f: {  	[sflag:s26] =	ssyncset.done $0x0  }
0x70: {  	s28 =	sadd.s32 $0x708, s24;
	[sflag:s26] =	ssyncadd.s32 $0xFFFFCE00  }
0x71: {  	[tilespmem:s18], [sflag:$0x1] =	stream.indirect.gather [hbm4b:s3+s16], $0x40, s28, s16, $0xb8;
	[tilespmem:$0x12C00] =	vst v63  }
0x72: {  	_ =	swait.ge [sflag:s21], $0x3200  }
0x73: {  	[sflag:s21] =	ssyncset.done $0x0  }
.Ltmp0:
0x74: {  	s28 =	sadd.s32 $0x2580, s19;
	[sflag:s21] =	ssyncadd.s32 $0xFFFFCE00;
	(pc) =	sbr.rel @p0 .LBB2_2-.Ltmp0, $4  }
0x75: {  	[hbm4b:s28+s22] =	stream.strided.scatter [tilespmem:s25], [sflag:$0x2], $0x3200, s23, s22, $0x38;
	[tilespmem:$0x12C00] =	vst v63  }
0x76: {  	_ =	swait.ge [sflag:s26], $0x3200  }
0x77: {  	[sflag:s26] =	ssyncset.done $0x0  }
0x78: {  	s24 =	sadd.s32 $0x7D0, s24;
	s19 =	sadd.s32 $0x3200, s19;
	[sflag:s26] =	ssyncadd.s32 $0xFFFFCE00  }
0x79: {  	[tilespmem:s20], [sflag:$0x1] =	stream.indirect.gather [hbm4b:s3+s16], $0x40, s24, s16, $0xb8;
	[tilespmem:$0x12C00] =	vst v63  }
0x7a: {  	_ =	swait.ge [sflag:s21], $0x3200  }
0x7b: {  	[sflag:s21] =	ssyncset.done $0x0  }
0x7c: {  	[sflag:s21] =	ssyncadd.s32 $0xFFFFCE00  }
0x7d: {  	[hbm4b:s9+s22] =	stream.strided.scatter [tilespmem:s17], [sflag:$0x2], $0x3200, s23, s22, $0x38;
	[tilespmem:$0x12C00] =	vst v63  }
0x7e: {  	_ =	swait.ge [sflag:s26], $0x3200  }
0x7f: {  	[sflag:s26] =	ssyncset.done $0x0  }
0x80: {  	[sflag:s26] =	ssyncadd.s32 $0xFFFFCE00  }
0x81: {  	[tilespmem:s25], [sflag:$0x1] =	stream.indirect.gather [hbm4b:s3+s16], $0x40, s31, s16, $0xb8;
	[tilespmem:$0x12C00] =	vst v63  }
0x82: {  	_ =	swait.ge [sflag:s21], $0x3200  }
0x83: {  	[sflag:s21] =	ssyncset.done $0x0  }
0x84: {  	[sflag:s21] =	ssyncadd.s32 $0xFFFFCE00  }
0x85: {  	[hbm4b:s10+s22] =	stream.strided.scatter [tilespmem:s18], [sflag:$0x2], $0x3200, s23, s22, $0x38;
	[tilespmem:$0x12C00] =	vst v63  }
0x86: {  	_ =	swait.ge [sflag:s26], $0x3200  }
0x87: {  	[sflag:s26] =	ssyncset.done $0x0  }
0x88: {  	[sflag:s26] =	ssyncadd.s32 $0xFFFFCE00  }
0x89: {  	_ =	swait.ge [sflag:s21], $0x3200  }
0x8a: {  	[sflag:s21] =	ssyncset.done $0x0  }
0x8b: {  	[sflag:s21] =	ssyncadd.s32 $0xFFFFCE00  }
0x8c: {  	[hbm4b:s11+s22] =	stream.strided.scatter [tilespmem:s20], [sflag:$0x2], $0x3200, s23, s22, $0x38;
	[tilespmem:$0x12C00] =	vst v63  }
0x8d: {  	_ =	swait.ge [sflag:s26], $0x3200  }
0x8e: {  	[sflag:s26] =	ssyncset.done $0x0  }
0x8f: {  	[sflag:s26] =	ssyncadd.s32 $0xFFFFCE00  }
0x90: {  	_ =	swait.ge [sflag:s21], $0x3200  }
0x91: {  	[sflag:s21] =	ssyncset.done $0x0  }
0x92: {  	s1 =	sadd.s32 $0x1, s1;
	[sflag:s21] =	ssyncadd.s32 $0xFFFFCE00  }
0x93: {  	[hbm4b:s12+s22] =	stream.strided.scatter [tilespmem:s25], [sflag:$0x2], $0x3200, s23, s22, $0x38;
	[tilespmem:$0x12C00] =	vst v63  }
0x94: {  	p0 =	sne.s32 s1, s13;
	_ =	swait.ge [sflag:s26], $0x3200  }
.Ltmp1:
0x95: {  	[sflag:s26] =	ssyncset.done $0x0;
	(pc) =	sbr.rel @p0 .LBB2_1-.Ltmp1, $4  }
0x96: {  	[sflag:s26] =	ssyncadd.s32 $0xFFFFCE00  }
0x97: {  	_ =	swait.ge [sflag:s26], $0x3200  }
0x98: {  	[sflag:s26] =	ssyncset.done $0x0  }
0x99: {  	[sflag:s26] =	ssyncadd.s32 $0xFFFFCE00  }
0x9a: {  	_ =	sfence.sel $0x180000  }
0x9b: {  	[bflag:$0x0] =	sbarrier.arrive $0xFFFF  }
0x9c: {  	_ =	strace $0x90000047  }
0x9d: {  	s0 =	stileid.u32;
	[bflag:$0x2] =	sbarrier.arrive $0xFFFF  }
0x9e: {  	p0 =	sne.s32 s0, $0x0;
	s0 =	rddreg [dreg:$0x2]  }
0x9f: {  	s0 =	sadd.s32 @!p0 $0x100000, s0  }
0xa0: {  	[sflag:s0] =	ssyncadd.tile.s32 @!p0 $0x1;
	_ =	shalt  }
.Lfunc_end2:
_tile_overlayer_lowered:
.L_overlay_start_2:
0xa1: {  	(tag) =	ssettag $0x2  }
0xa2: {  	s0 =	rddreg [dreg:$0x0];
	s2 =	stileid.u32  }
0xa3: {  	s1 =	rddreg [dreg:$0x1];
	p0 =	sne.s32 s2, $0x0  }
0xa4: {  	s3 =	rddreg [dreg:$0x2];
	[bflag:$0x3] =	sbarrier.arrive $0xFFFF;
	s2 =	simm.s32 @!p0 $0x1C03  }
0xa5: {  	[timem:s3], [sflag:s2] =	dma.local @!p0 [hbm:s0], s1  }
0xa6: {  	s0 =	simm.s32 @!p0 $0x3  }
0xa7: {  	_ =	swait.ge @!p0 [sflag:s0], s1  }
0xa8: {  	s1 =	ssub.s32 @!p0 $0x0, s1;
	[sflag:s0] =	ssyncset.done @!p0 $0x0  }
0xa9: {  	[sflag:s0] =	ssyncadd.s32 @!p0 s1  }
0xaa: {  	[bflag:$0x3] =	sbarrier.arrive $0xFFFF  }
0xab: {  	_ =	shalt  }

</sc_bundles>
